<compile_context>
chip_gen: v7x
topology: tpu7x:2x2x1
jax: 0.10.2.dev20260603
libtpu: 0.0.44.dev20260713+nightly
codegen_flags: <defaults>
</compile_context>

<pallas_src>
import functools

import jax
import jax.numpy as jnp
from jax import lax
from jax.experimental import pallas as pl
from jax.experimental.pallas import tpu as pltpu
from jax.experimental.pallas import tpu_sc as plsc

HIDDEN = 1024
NC = 2
NS = 16
NW = NC * NS
CHUNK = 32
B_PER_W = 1024
NCHUNK = B_PER_W // CHUNK


def _gather_body(table_hbm, idx_hbm, out_hbm,
                 idx_v, rows_0, rows_1, rows_2,
                 gsem_0, gsem_1, gsem_2, ssem_0, ssem_1, ssem_2):
    wid = lax.axis_index("s") * NC + lax.axis_index("c")
    base = wid * B_PER_W
    rows = (rows_0, rows_1, rows_2)
    gsem = (gsem_0, gsem_1, gsem_2)
    ssem = (ssem_0, ssem_1, ssem_2)
    pltpu.sync_copy(idx_hbm.at[wid], idx_v)

    def gather(c, b):
        pltpu.async_copy(table_hbm.at[idx_v.at[c]], rows[b], gsem[b])

    def gwait(b):
        pltpu.make_async_copy(table_hbm.at[idx_v.at[0]], rows[b], gsem[b]).wait()

    def scatter(c, b):
        pltpu.async_copy(rows[b], out_hbm.at[pl.ds(base + c * CHUNK, CHUNK)],
                         ssem[b])

    def swait(b):
        pltpu.make_async_copy(rows[b], out_hbm.at[pl.ds(base, CHUNK)],
                              ssem[b]).wait()

    def do_chunk(c, b_cur, b_n2):
        gwait(b_cur)
        swait(b_n2)

        @pl.when(c + 2 < NCHUNK)
        def _():
            gather(c + 2, b_n2)

        scatter(c, b_cur)

    gather(0, 0)
    gather(1, 1)
    gwait(0)
    gather(2, 2)
    scatter(0, 0)

    def step(i, carry):
        c = 3 * i + 1
        do_chunk(c, 1, 0)
        do_chunk(c + 1, 2, 1)
        do_chunk(c + 2, 0, 2)
        return carry

    lax.fori_loop(0, (NCHUNK - 2) // 3, step, 0)

    c_last = NCHUNK - 1
    gwait(c_last % 3)
    swait((c_last + 2) % 3)
    scatter(c_last, c_last % 3)
    swait(c_last % 3)


@jax.jit
def _lookup(pe, idx3):
    mesh = plsc.VectorSubcoreMesh(core_axis_name="c", subcore_axis_name="s")
    fn = functools.partial(
        pl.kernel,
        mesh=mesh,
        out_type=jax.ShapeDtypeStruct((NW * B_PER_W, HIDDEN), jnp.float32),
        scratch_types=[
            pltpu.VMEM((NCHUNK, CHUNK), jnp.int32),
            pltpu.VMEM((CHUNK, HIDDEN), jnp.float32),
            pltpu.VMEM((CHUNK, HIDDEN), jnp.float32),
            pltpu.VMEM((CHUNK, HIDDEN), jnp.float32),
            pltpu.SemaphoreType.DMA,
            pltpu.SemaphoreType.DMA,
            pltpu.SemaphoreType.DMA,
            pltpu.SemaphoreType.DMA,
            pltpu.SemaphoreType.DMA,
            pltpu.SemaphoreType.DMA,
        ],
    )(_gather_body)
    return fn(pe, idx3)


def kernel(idx, pe):
    b, s = idx.shape
    idx3 = idx.astype(jnp.int32).reshape(NW, NCHUNK, CHUNK)
    out = _lookup(pe, idx3)
    return out.reshape(b, s, HIDDEN)

# --- scband reference (transcript-rebuilt; emitter-appended) ---
"""Pipeline reference for scband-positional-encoding-51238959841461 (READ-ONLY COPY).

The authoritative reference and input builder live on the scoring server;
editing this copy changes nothing except your own understanding.
"""

import math
import jax, jax.numpy as jnp
import numpy as np

HIDDEN_SIZE = 1024
MAX_LEN = 8192
BATCH = 4
SEQ_LEN = 8192


def _build_pe(hidden_size: int, max_len: int) -> jnp.ndarray:
    pos = jnp.arange(max_len, dtype=jnp.float32)[:, None]
    dim = jnp.arange(hidden_size // 2, dtype=jnp.float32)[None, :]
    div_term = jnp.exp(-math.log(10000.0) * (2.0 * dim) / hidden_size)
    angle = pos * div_term
    pe = jnp.zeros((max_len, hidden_size), dtype=jnp.float32)
    pe = pe.at[:, 0::2].set(jnp.sin(angle))
    pe = pe.at[:, 1::2].set(jnp.cos(angle))
    return pe


def setup_inputs(seed: int = 0) -> dict:
    key = jax.random.key(seed)
    k_idx, _ = jax.random.split(key)
    idx = jax.random.randint(k_idx, (BATCH, SEQ_LEN), 0, MAX_LEN, dtype=jnp.int64 if jax.config.jax_enable_x64 else jnp.int32)
    pe = _build_pe(HIDDEN_SIZE, MAX_LEN)
    return {"idx": idx, "pe": pe}


def reference(idx, pe):
    # Faithful translation of PositionalEncoding.forward: gather rows of pe by idx
    return jnp.take(pe, idx, axis=0)

if __name__ == "__main__":
    import jax
    _d = setup_inputs()
    print(jax.jit(kernel)(*tuple(_d.values())))

</pallas_src>

<mosaic_0001>
#map = affine_map<(d0, d1) -> (0, 0)>
#map1 = affine_map<(d0, d1) -> (0, 0, 0)>
module attributes {stable_mosaic.version = 14 : i64} {
  func.func @_gather_body(%arg0: i32, %arg1: i32, %arg2: memref<8192x1024xf32, #tpu.memory_space<hbm>>, %arg3: memref<32x32x32xi32, #tpu.memory_space<hbm>>, %arg4: memref<32768x1024xf32, #tpu.memory_space<hbm>>, %arg5: memref<32x32xi32, #tpu.memory_space<vmem>>, %arg6: memref<32x1024xf32, #tpu.memory_space<vmem>>, %arg7: memref<32x1024xf32, #tpu.memory_space<vmem>>, %arg8: memref<32x1024xf32, #tpu.memory_space<vmem>>, %arg9: memref<!tpu.dma_semaphore, #tpu.memory_space<semaphore_mem>>, %arg10: memref<!tpu.dma_semaphore, #tpu.memory_space<semaphore_mem>>, %arg11: memref<!tpu.dma_semaphore, #tpu.memory_space<semaphore_mem>>, %arg12: memref<!tpu.dma_semaphore, #tpu.memory_space<semaphore_mem>>, %arg13: memref<!tpu.dma_semaphore, #tpu.memory_space<semaphore_mem>>, %arg14: memref<!tpu.dma_semaphore, #tpu.memory_space<semaphore_mem>>) attributes {dimension_semantics = [#tpu.dimension_semantics<core_parallel>, #tpu.dimension_semantics<subcore_parallel>], iteration_bounds = array<i64: 2, 16>, scalar_prefetch = 0 : i64, scratch_operands = 10 : i64, tpu.core_type = #tpu.core_type<sc_vector_subcore>, window_params = [{transform_indices = #map}, {transform_indices = #map1}, {transform_indices = #map}]} {
    %mul3A = arith.constant 2 : i32
    %mul3A_0 = arith.muli %arg1, %mul3A : i32
    %add3A = arith.addi %mul3A_0, %arg0 : i32
    %mul3A_1 = arith.constant 1024 : i32
    %mul3A_2 = arith.muli %add3A, %mul3A_1 : i32
    "tpu.region"() ({
      %run_scoped3A = tpu.sem_alloc : memref<!tpu.dma_semaphore, #tpu.memory_space<semaphore_mem>>
      %dma_start3A_61 = arith.constant 0 : i32
      %dma_start3A_62 = arith.constant 0 : i32
      %dma_start3A_63 = tpu.memref_slice %arg3[%add3A, %dma_start3A_61, %dma_start3A_62] : memref<32x32x32xi32, #tpu.memory_space<hbm>> -> memref<1x32x32xi32, #tpu.memory_space<hbm>>
      %dma_start3A_64 = tpu.memref_squeeze %dma_start3A_63 : memref<1x32x32xi32, #tpu.memory_space<hbm>> -> memref<32x32xi32, #tpu.memory_space<hbm>>
      %dma_start3A_65 = arith.constant 0 : i32
      %dma_start3A_66 = arith.constant 0 : i32
      %dma_start3A_67 = tpu.memref_slice %arg3[%add3A, %dma_start3A_65, %dma_start3A_66] : memref<32x32x32xi32, #tpu.memory_space<hbm>> -> memref<1x32x32xi32, #tpu.memory_space<hbm>>
      %dma_start3A_68 = tpu.memref_squeeze %dma_start3A_67 : memref<1x32x32xi32, #tpu.memory_space<hbm>> -> memref<32x32xi32, #tpu.memory_space<hbm>>
      tpu.enqueue_dma source(%dma_start3A_68 : memref<32x32xi32, #tpu.memory_space<hbm>>) target(%arg5 : memref<32x32xi32, #tpu.memory_space<vmem>>) target_semaphore(%run_scoped3A : memref<!tpu.dma_semaphore, #tpu.memory_space<semaphore_mem>>)
      %dma_wait3A_69 = arith.constant 0 : i32
      %dma_wait3A_70 = arith.constant 0 : i32
      %dma_wait3A_71 = tpu.memref_slice %arg3[%add3A, %dma_wait3A_69, %dma_wait3A_70] : memref<32x32x32xi32, #tpu.memory_space<hbm>> -> memref<1x32x32xi32, #tpu.memory_space<hbm>>
      %dma_wait3A_72 = tpu.memref_squeeze %dma_wait3A_71 : memref<1x32x32xi32, #tpu.memory_space<hbm>> -> memref<32x32xi32, #tpu.memory_space<hbm>>
      %dma_wait3A_73 = arith.constant 0 : i32
      %dma_wait3A_74 = arith.constant 0 : i32
      %dma_wait3A_75 = tpu.memref_slice %arg3[%add3A, %dma_wait3A_73, %dma_wait3A_74] : memref<32x32x32xi32, #tpu.memory_space<hbm>> -> memref<1x32x32xi32, #tpu.memory_space<hbm>>
      %dma_wait3A_76 = tpu.memref_squeeze %dma_wait3A_75 : memref<1x32x32xi32, #tpu.memory_space<hbm>> -> memref<32x32xi32, #tpu.memory_space<hbm>>
      tpu.wait_dma2 semaphore(%run_scoped3A : memref<!tpu.dma_semaphore, #tpu.memory_space<semaphore_mem>>) src(%dma_wait3A_76 : memref<32x32xi32, #tpu.memory_space<hbm>>) dst(%arg5 : memref<32x32xi32, #tpu.memory_space<vmem>>)
      tpu.yield
    }) : () -> ()
    %dma_start3A = arith.constant 0 : i32
    %dma_start3A_3 = arith.constant 0 : i32
    %dma_start3A_4 = tpu.memref_slice %arg5[%dma_start3A, %dma_start3A_3] : memref<32x32xi32, #tpu.memory_space<vmem>> -> memref<1x32xi32, #tpu.memory_space<vmem>>
    %dma_start3A_5 = tpu.memref_squeeze %dma_start3A_4 : memref<1x32xi32, #tpu.memory_space<vmem>> -> memref<32xi32, #tpu.memory_space<vmem>>
    %dma_start3A_6 = arith.constant 0 : i32
    %dma_start3A_7 = arith.constant 0 : i32
    %dma_start3A_8 = tpu.memref_slice %arg2[%dma_start3A_6, %dma_start3A_7] : memref<8192x1024xf32, #tpu.memory_space<hbm>> -> memref<8192x1024xf32, #tpu.memory_space<hbm>>
    tpu.enqueue_indirect_dma source(%dma_start3A_8 : memref<8192x1024xf32, #tpu.memory_space<hbm>>) target(%arg6 : memref<32x1024xf32, #tpu.memory_space<vmem>>) offsets(%dma_start3A_5 : memref<32xi32, #tpu.memory_space<vmem>>) semaphore(%arg9 : memref<!tpu.dma_semaphore, #tpu.memory_space<semaphore_mem>>)
    %dma_start3A_9 = arith.constant 1 : i32
    %dma_start3A_10 = arith.constant 0 : i32
    %dma_start3A_11 = tpu.memref_slice %arg5[%dma_start3A_9, %dma_start3A_10] : memref<32x32xi32, #tpu.memory_space<vmem>> -> memref<1x32xi32, #tpu.memory_space<vmem>>
    %dma_start3A_12 = tpu.memref_squeeze %dma_start3A_11 : memref<1x32xi32, #tpu.memory_space<vmem>> -> memref<32xi32, #tpu.memory_space<vmem>>
    %dma_start3A_13 = arith.constant 0 : i32
    %dma_start3A_14 = arith.constant 0 : i32
    %dma_start3A_15 = tpu.memref_slice %arg2[%dma_start3A_13, %dma_start3A_14] : memref<8192x1024xf32, #tpu.memory_space<hbm>> -> memref<8192x1024xf32, #tpu.memory_space<hbm>>
    tpu.enqueue_indirect_dma source(%dma_start3A_15 : memref<8192x1024xf32, #tpu.memory_space<hbm>>) target(%arg7 : memref<32x1024xf32, #tpu.memory_space<vmem>>) offsets(%dma_start3A_12 : memref<32xi32, #tpu.memory_space<vmem>>) semaphore(%arg10 : memref<!tpu.dma_semaphore, #tpu.memory_space<semaphore_mem>>)
    %dma_wait3A = arith.constant 0 : i32
    %dma_wait3A_16 = arith.constant 0 : i32
    %dma_wait3A_17 = tpu.memref_slice %arg5[%dma_wait3A, %dma_wait3A_16] : memref<32x32xi32, #tpu.memory_space<vmem>> -> memref<1x32xi32, #tpu.memory_space<vmem>>
    %dma_wait3A_18 = tpu.memref_squeeze %dma_wait3A_17 : memref<1x32xi32, #tpu.memory_space<vmem>> -> memref<32xi32, #tpu.memory_space<vmem>>
    %dma_wait3A_19 = arith.constant 0 : i32
    %dma_wait3A_20 = arith.constant 0 : i32
    %dma_wait3A_21 = tpu.memref_slice %arg2[%dma_wait3A_19, %dma_wait3A_20] : memref<8192x1024xf32, #tpu.memory_space<hbm>> -> memref<8192x1024xf32, #tpu.memory_space<hbm>>
    tpu.wait_indirect_dma semaphore(%arg9 : memref<!tpu.dma_semaphore, #tpu.memory_space<semaphore_mem>>) src(%dma_wait3A_21 : memref<8192x1024xf32, #tpu.memory_space<hbm>>) dst(%arg6 : memref<32x1024xf32, #tpu.memory_space<vmem>>)
    %dma_start3A_22 = arith.constant 2 : i32
    %dma_start3A_23 = arith.constant 0 : i32
    %dma_start3A_24 = tpu.memref_slice %arg5[%dma_start3A_22, %dma_start3A_23] : memref<32x32xi32, #tpu.memory_space<vmem>> -> memref<1x32xi32, #tpu.memory_space<vmem>>
    %dma_start3A_25 = tpu.memref_squeeze %dma_start3A_24 : memref<1x32xi32, #tpu.memory_space<vmem>> -> memref<32xi32, #tpu.memory_space<vmem>>
    %dma_start3A_26 = arith.constant 0 : i32
    %dma_start3A_27 = arith.constant 0 : i32
    %dma_start3A_28 = tpu.memref_slice %arg2[%dma_start3A_26, %dma_start3A_27] : memref<8192x1024xf32, #tpu.memory_space<hbm>> -> memref<8192x1024xf32, #tpu.memory_space<hbm>>
    tpu.enqueue_indirect_dma source(%dma_start3A_28 : memref<8192x1024xf32, #tpu.memory_space<hbm>>) target(%arg8 : memref<32x1024xf32, #tpu.memory_space<vmem>>) offsets(%dma_start3A_25 : memref<32xi32, #tpu.memory_space<vmem>>) semaphore(%arg11 : memref<!tpu.dma_semaphore, #tpu.memory_space<semaphore_mem>>)
    %add3A_29 = arith.constant 0 : i32
    %add3A_30 = arith.addi %mul3A_2, %add3A_29 : i32
    %dma_start3A_31 = arith.constant 0 : i32
    %dma_start3A_32 = tpu.memref_slice %arg4[%add3A_30, %dma_start3A_31] : memref<32768x1024xf32, #tpu.memory_space<hbm>> -> memref<32x1024xf32, #tpu.memory_space<hbm>>
    %dma_start3A_33 = arith.constant 0 : i32
    %dma_start3A_34 = tpu.memref_slice %arg4[%add3A_30, %dma_start3A_33] : memref<32768x1024xf32, #tpu.memory_space<hbm>> -> memref<32x1024xf32, #tpu.memory_space<hbm>>
    tpu.enqueue_dma source(%arg6 : memref<32x1024xf32, #tpu.memory_space<vmem>>) target(%dma_start3A_34 : memref<32x1024xf32, #tpu.memory_space<hbm>>) target_semaphore(%arg12 : memref<!tpu.dma_semaphore, #tpu.memory_space<semaphore_mem>>)
    %scan3A = arith.constant 0 : i32
    %scan3A_35 = arith.constant 0 : i32
    %scan3A_36 = arith.constant 10 : i32
    %scan3A_37 = arith.addi %scan3A_35, %scan3A_36 : i32
    %scan3A_38 = arith.constant 1 : i32
    scf.for %scan3A_61 = %scan3A_35 to %scan3A_37 step %scan3A_38  : i32 {
      %mul3A_62 = arith.constant 3 : i32
      %mul3A_63 = arith.muli %mul3A_62, %scan3A_61 : i32
      %add3A_64 = arith.constant 1 : i32
      %add3A_65 = arith.addi %mul3A_63, %add3A_64 : i32
      %dma_wait3A_66 = arith.constant 0 : i32
      %dma_wait3A_67 = arith.constant 0 : i32
      %dma_wait3A_68 = tpu.memref_slice %arg5[%dma_wait3A_66, %dma_wait3A_67] : memref<32x32xi32, #tpu.memory_space<vmem>> -> memref<1x32xi32, #tpu.memory_space<vmem>>
      %dma_wait3A_69 = tpu.memref_squeeze %dma_wait3A_68 : memref<1x32xi32, #tpu.memory_space<vmem>> -> memref<32xi32, #tpu.memory_space<vmem>>
      %dma_wait3A_70 = arith.constant 0 : i32
      %dma_wait3A_71 = arith.constant 0 : i32
      %dma_wait3A_72 = tpu.memref_slice %arg2[%dma_wait3A_70, %dma_wait3A_71] : memref<8192x1024xf32, #tpu.memory_space<hbm>> -> memref<8192x1024xf32, #tpu.memory_space<hbm>>
      tpu.wait_indirect_dma semaphore(%arg10 : memref<!tpu.dma_semaphore, #tpu.memory_space<semaphore_mem>>) src(%dma_wait3A_72 : memref<8192x1024xf32, #tpu.memory_space<hbm>>) dst(%arg7 : memref<32x1024xf32, #tpu.memory_space<vmem>>)
      %dma_wait3A_73 = arith.constant 0 : i32
      %dma_wait3A_74 = tpu.memref_slice %arg4[%mul3A_2, %dma_wait3A_73] : memref<32768x1024xf32, #tpu.memory_space<hbm>> -> memref<32x1024xf32, #tpu.memory_space<hbm>>
      %dma_wait3A_75 = arith.constant 0 : i32
      %dma_wait3A_76 = tpu.memref_slice %arg4[%mul3A_2, %dma_wait3A_75] : memref<32768x1024xf32, #tpu.memory_space<hbm>> -> memref<32x1024xf32, #tpu.memory_space<hbm>>
      tpu.wait_dma2 semaphore(%arg12 : memref<!tpu.dma_semaphore, #tpu.memory_space<semaphore_mem>>) src(%arg6 : memref<32x1024xf32, #tpu.memory_space<vmem>>) dst(%dma_wait3A_76 : memref<32x1024xf32, #tpu.memory_space<hbm>>)
      %add3A_77 = arith.constant 2 : i32
      %add3A_78 = arith.addi %add3A_65, %add3A_77 : i32
      %lt3A = arith.constant 32 : i32
      %lt3A_79 = arith.cmpi slt, %add3A_78, %lt3A : i32
      %convert_element_type3A = arith.extui %lt3A_79 : i1 to i32
      %cond3A = arith.constant 0 : i32
      %cond3A_80 = arith.cmpi ne, %convert_element_type3A, %cond3A : i32
      scf.if %cond3A_80 {
        %add3A_142 = arith.constant 2 : i32
        %add3A_143 = arith.addi %add3A_65, %add3A_142 : i32
        %dma_start3A_144 = arith.constant 0 : i32
        %dma_start3A_145 = tpu.memref_slice %arg5[%add3A_143, %dma_start3A_144] : memref<32x32xi32, #tpu.memory_space<vmem>> -> memref<1x32xi32, #tpu.memory_space<vmem>>
        %dma_start3A_146 = tpu.memref_squeeze %dma_start3A_145 : memref<1x32xi32, #tpu.memory_space<vmem>> -> memref<32xi32, #tpu.memory_space<vmem>>
        %dma_start3A_147 = arith.constant 0 : i32
        %dma_start3A_148 = arith.constant 0 : i32
        %dma_start3A_149 = tpu.memref_slice %arg2[%dma_start3A_147, %dma_start3A_148] : memref<8192x1024xf32, #tpu.memory_space<hbm>> -> memref<8192x1024xf32, #tpu.memory_space<hbm>>
        tpu.enqueue_indirect_dma source(%dma_start3A_149 : memref<8192x1024xf32, #tpu.memory_space<hbm>>) target(%arg6 : memref<32x1024xf32, #tpu.memory_space<vmem>>) offsets(%dma_start3A_146 : memref<32xi32, #tpu.memory_space<vmem>>) semaphore(%arg9 : memref<!tpu.dma_semaphore, #tpu.memory_space<semaphore_mem>>)
      } else {
      }
      %mul3A_81 = arith.constant 32 : i32
      %mul3A_82 = arith.muli %add3A_65, %mul3A_81 : i32
      %add3A_83 = arith.addi %mul3A_2, %mul3A_82 : i32
      %dma_start3A_84 = arith.constant 0 : i32
      %dma_start3A_85 = tpu.memref_slice %arg4[%add3A_83, %dma_start3A_84] : memref<32768x1024xf32, #tpu.memory_space<hbm>> -> memref<32x1024xf32, #tpu.memory_space<hbm>>
      %dma_start3A_86 = arith.constant 0 : i32
      %dma_start3A_87 = tpu.memref_slice %arg4[%add3A_83, %dma_start3A_86] : memref<32768x1024xf32, #tpu.memory_space<hbm>> -> memref<32x1024xf32, #tpu.memory_space<hbm>>
      tpu.enqueue_dma source(%arg7 : memref<32x1024xf32, #tpu.memory_space<vmem>>) target(%dma_start3A_87 : memref<32x1024xf32, #tpu.memory_space<hbm>>) target_semaphore(%arg13 : memref<!tpu.dma_semaphore, #tpu.memory_space<semaphore_mem>>)
      %add3A_88 = arith.constant 1 : i32
      %add3A_89 = arith.addi %add3A_65, %add3A_88 : i32
      %dma_wait3A_90 = arith.constant 0 : i32
      %dma_wait3A_91 = arith.constant 0 : i32
      %dma_wait3A_92 = tpu.memref_slice %arg5[%dma_wait3A_90, %dma_wait3A_91] : memref<32x32xi32, #tpu.memory_space<vmem>> -> memref<1x32xi32, #tpu.memory_space<vmem>>
      %dma_wait3A_93 = tpu.memref_squeeze %dma_wait3A_92 : memref<1x32xi32, #tpu.memory_space<vmem>> -> memref<32xi32, #tpu.memory_space<vmem>>
      %dma_wait3A_94 = arith.constant 0 : i32
      %dma_wait3A_95 = arith.constant 0 : i32
      %dma_wait3A_96 = tpu.memref_slice %arg2[%dma_wait3A_94, %dma_wait3A_95] : memref<8192x1024xf32, #tpu.memory_space<hbm>> -> memref<8192x1024xf32, #tpu.memory_space<hbm>>
      tpu.wait_indirect_dma semaphore(%arg11 : memref<!tpu.dma_semaphore, #tpu.memory_space<semaphore_mem>>) src(%dma_wait3A_96 : memref<8192x1024xf32, #tpu.memory_space<hbm>>) dst(%arg8 : memref<32x1024xf32, #tpu.memory_space<vmem>>)
      %dma_wait3A_97 = arith.constant 0 : i32
      %dma_wait3A_98 = tpu.memref_slice %arg4[%mul3A_2, %dma_wait3A_97] : memref<32768x1024xf32, #tpu.memory_space<hbm>> -> memref<32x1024xf32, #tpu.memory_space<hbm>>
      %dma_wait3A_99 = arith.constant 0 : i32
      %dma_wait3A_100 = tpu.memref_slice %arg4[%mul3A_2, %dma_wait3A_99] : memref<32768x1024xf32, #tpu.memory_space<hbm>> -> memref<32x1024xf32, #tpu.memory_space<hbm>>
      tpu.wait_dma2 semaphore(%arg13 : memref<!tpu.dma_semaphore, #tpu.memory_space<semaphore_mem>>) src(%arg7 : memref<32x1024xf32, #tpu.memory_space<vmem>>) dst(%dma_wait3A_100 : memref<32x1024xf32, #tpu.memory_space<hbm>>)
      %add3A_101 = arith.constant 2 : i32
      %add3A_102 = arith.addi %add3A_89, %add3A_101 : i32
      %lt3A_103 = arith.constant 32 : i32
      %lt3A_104 = arith.cmpi slt, %add3A_102, %lt3A_103 : i32
      %convert_element_type3A_105 = arith.extui %lt3A_104 : i1 to i32
      %cond3A_106 = arith.constant 0 : i32
      %cond3A_107 = arith.cmpi ne, %convert_element_type3A_105, %cond3A_106 : i32
      scf.if %cond3A_107 {
        %add3A_142 = arith.constant 2 : i32
        %add3A_143 = arith.addi %add3A_89, %add3A_142 : i32
        %dma_start3A_144 = arith.constant 0 : i32
        %dma_start3A_145 = tpu.memref_slice %arg5[%add3A_143, %dma_start3A_144] : memref<32x32xi32, #tpu.memory_space<vmem>> -> memref<1x32xi32, #tpu.memory_space<vmem>>
        %dma_start3A_146 = tpu.memref_squeeze %dma_start3A_145 : memref<1x32xi32, #tpu.memory_space<vmem>> -> memref<32xi32, #tpu.memory_space<vmem>>
        %dma_start3A_147 = arith.constant 0 : i32
        %dma_start3A_148 = arith.constant 0 : i32
        %dma_start3A_149 = tpu.memref_slice %arg2[%dma_start3A_147, %dma_start3A_148] : memref<8192x1024xf32, #tpu.memory_space<hbm>> -> memref<8192x1024xf32, #tpu.memory_space<hbm>>
        tpu.enqueue_indirect_dma source(%dma_start3A_149 : memref<8192x1024xf32, #tpu.memory_space<hbm>>) target(%arg7 : memref<32x1024xf32, #tpu.memory_space<vmem>>) offsets(%dma_start3A_146 : memref<32xi32, #tpu.memory_space<vmem>>) semaphore(%arg10 : memref<!tpu.dma_semaphore, #tpu.memory_space<semaphore_mem>>)
      } else {
      }
      %mul3A_108 = arith.constant 32 : i32
      %mul3A_109 = arith.muli %add3A_89, %mul3A_108 : i32
      %add3A_110 = arith.addi %mul3A_2, %mul3A_109 : i32
      %dma_start3A_111 = arith.constant 0 : i32
      %dma_start3A_112 = tpu.memref_slice %arg4[%add3A_110, %dma_start3A_111] : memref<32768x1024xf32, #tpu.memory_space<hbm>> -> memref<32x1024xf32, #tpu.memory_space<hbm>>
      %dma_start3A_113 = arith.constant 0 : i32
      %dma_start3A_114 = tpu.memref_slice %arg4[%add3A_110, %dma_start3A_113] : memref<32768x1024xf32, #tpu.memory_space<hbm>> -> memref<32x1024xf32, #tpu.memory_space<hbm>>
      tpu.enqueue_dma source(%arg8 : memref<32x1024xf32, #tpu.memory_space<vmem>>) target(%dma_start3A_114 : memref<32x1024xf32, #tpu.memory_space<hbm>>) target_semaphore(%arg14 : memref<!tpu.dma_semaphore, #tpu.memory_space<semaphore_mem>>)
      %add3A_115 = arith.constant 2 : i32
      %add3A_116 = arith.addi %add3A_65, %add3A_115 : i32
      %dma_wait3A_117 = arith.constant 0 : i32
      %dma_wait3A_118 = arith.constant 0 : i32
      %dma_wait3A_119 = tpu.memref_slice %arg5[%dma_wait3A_117, %dma_wait3A_118] : memref<32x32xi32, #tpu.memory_space<vmem>> -> memref<1x32xi32, #tpu.memory_space<vmem>>
      %dma_wait3A_120 = tpu.memref_squeeze %dma_wait3A_119 : memref<1x32xi32, #tpu.memory_space<vmem>> -> memref<32xi32, #tpu.memory_space<vmem>>
      %dma_wait3A_121 = arith.constant 0 : i32
      %dma_wait3A_122 = arith.constant 0 : i32
      %dma_wait3A_123 = tpu.memref_slice %arg2[%dma_wait3A_121, %dma_wait3A_122] : memref<8192x1024xf32, #tpu.memory_space<hbm>> -> memref<8192x1024xf32, #tpu.memory_space<hbm>>
      tpu.wait_indirect_dma semaphore(%arg9 : memref<!tpu.dma_semaphore, #tpu.memory_space<semaphore_mem>>) src(%dma_wait3A_123 : memref<8192x1024xf32, #tpu.memory_space<hbm>>) dst(%arg6 : memref<32x1024xf32, #tpu.memory_space<vmem>>)
      %dma_wait3A_124 = arith.constant 0 : i32
      %dma_wait3A_125 = tpu.memref_slice %arg4[%mul3A_2, %dma_wait3A_124] : memref<32768x1024xf32, #tpu.memory_space<hbm>> -> memref<32x1024xf32, #tpu.memory_space<hbm>>
      %dma_wait3A_126 = arith.constant 0 : i32
      %dma_wait3A_127 = tpu.memref_slice %arg4[%mul3A_2, %dma_wait3A_126] : memref<32768x1024xf32, #tpu.memory_space<hbm>> -> memref<32x1024xf32, #tpu.memory_space<hbm>>
      tpu.wait_dma2 semaphore(%arg14 : memref<!tpu.dma_semaphore, #tpu.memory_space<semaphore_mem>>) src(%arg8 : memref<32x1024xf32, #tpu.memory_space<vmem>>) dst(%dma_wait3A_127 : memref<32x1024xf32, #tpu.memory_space<hbm>>)
      %add3A_128 = arith.constant 2 : i32
      %add3A_129 = arith.addi %add3A_116, %add3A_128 : i32
      %lt3A_130 = arith.constant 32 : i32
      %lt3A_131 = arith.cmpi slt, %add3A_129, %lt3A_130 : i32
      %convert_element_type3A_132 = arith.extui %lt3A_131 : i1 to i32
      %cond3A_133 = arith.constant 0 : i32
      %cond3A_134 = arith.cmpi ne, %convert_element_type3A_132, %cond3A_133 : i32
      scf.if %cond3A_134 {
        %add3A_142 = arith.constant 2 : i32
        %add3A_143 = arith.addi %add3A_116, %add3A_142 : i32
        %dma_start3A_144 = arith.constant 0 : i32
        %dma_start3A_145 = tpu.memref_slice %arg5[%add3A_143, %dma_start3A_144] : memref<32x32xi32, #tpu.memory_space<vmem>> -> memref<1x32xi32, #tpu.memory_space<vmem>>
        %dma_start3A_146 = tpu.memref_squeeze %dma_start3A_145 : memref<1x32xi32, #tpu.memory_space<vmem>> -> memref<32xi32, #tpu.memory_space<vmem>>
        %dma_start3A_147 = arith.constant 0 : i32
        %dma_start3A_148 = arith.constant 0 : i32
        %dma_start3A_149 = tpu.memref_slice %arg2[%dma_start3A_147, %dma_start3A_148] : memref<8192x1024xf32, #tpu.memory_space<hbm>> -> memref<8192x1024xf32, #tpu.memory_space<hbm>>
        tpu.enqueue_indirect_dma source(%dma_start3A_149 : memref<8192x1024xf32, #tpu.memory_space<hbm>>) target(%arg8 : memref<32x1024xf32, #tpu.memory_space<vmem>>) offsets(%dma_start3A_146 : memref<32xi32, #tpu.memory_space<vmem>>) semaphore(%arg11 : memref<!tpu.dma_semaphore, #tpu.memory_space<semaphore_mem>>)
      } else {
      }
      %mul3A_135 = arith.constant 32 : i32
      %mul3A_136 = arith.muli %add3A_116, %mul3A_135 : i32
      %add3A_137 = arith.addi %mul3A_2, %mul3A_136 : i32
      %dma_start3A_138 = arith.constant 0 : i32
      %dma_start3A_139 = tpu.memref_slice %arg4[%add3A_137, %dma_start3A_138] : memref<32768x1024xf32, #tpu.memory_space<hbm>> -> memref<32x1024xf32, #tpu.memory_space<hbm>>
      %dma_start3A_140 = arith.constant 0 : i32
      %dma_start3A_141 = tpu.memref_slice %arg4[%add3A_137, %dma_start3A_140] : memref<32768x1024xf32, #tpu.memory_space<hbm>> -> memref<32x1024xf32, #tpu.memory_space<hbm>>
      tpu.enqueue_dma source(%arg6 : memref<32x1024xf32, #tpu.memory_space<vmem>>) target(%dma_start3A_141 : memref<32x1024xf32, #tpu.memory_space<hbm>>) target_semaphore(%arg12 : memref<!tpu.dma_semaphore, #tpu.memory_space<semaphore_mem>>)
    }
    %scan3A_39 = arith.constant 10 : i32
    %dma_wait3A_40 = arith.constant 0 : i32
    %dma_wait3A_41 = arith.constant 0 : i32
    %dma_wait3A_42 = tpu.memref_slice %arg5[%dma_wait3A_40, %dma_wait3A_41] : memref<32x32xi32, #tpu.memory_space<vmem>> -> memref<1x32xi32, #tpu.memory_space<vmem>>
    %dma_wait3A_43 = tpu.memref_squeeze %dma_wait3A_42 : memref<1x32xi32, #tpu.memory_space<vmem>> -> memref<32xi32, #tpu.memory_space<vmem>>
    %dma_wait3A_44 = arith.constant 0 : i32
    %dma_wait3A_45 = arith.constant 0 : i32
    %dma_wait3A_46 = tpu.memref_slice %arg2[%dma_wait3A_44, %dma_wait3A_45] : memref<8192x1024xf32, #tpu.memory_space<hbm>> -> memref<8192x1024xf32, #tpu.memory_space<hbm>>
    tpu.wait_indirect_dma semaphore(%arg10 : memref<!tpu.dma_semaphore, #tpu.memory_space<semaphore_mem>>) src(%dma_wait3A_46 : memref<8192x1024xf32, #tpu.memory_space<hbm>>) dst(%arg7 : memref<32x1024xf32, #tpu.memory_space<vmem>>)
    %dma_wait3A_47 = arith.constant 0 : i32
    %dma_wait3A_48 = tpu.memref_slice %arg4[%mul3A_2, %dma_wait3A_47] : memref<32768x1024xf32, #tpu.memory_space<hbm>> -> memref<32x1024xf32, #tpu.memory_space<hbm>>
    %dma_wait3A_49 = arith.constant 0 : i32
    %dma_wait3A_50 = tpu.memref_slice %arg4[%mul3A_2, %dma_wait3A_49] : memref<32768x1024xf32, #tpu.memory_space<hbm>> -> memref<32x1024xf32, #tpu.memory_space<hbm>>
    tpu.wait_dma2 semaphore(%arg12 : memref<!tpu.dma_semaphore, #tpu.memory_space<semaphore_mem>>) src(%arg6 : memref<32x1024xf32, #tpu.memory_space<vmem>>) dst(%dma_wait3A_50 : memref<32x1024xf32, #tpu.memory_space<hbm>>)
    %add3A_51 = arith.constant 992 : i32
    %add3A_52 = arith.addi %mul3A_2, %add3A_51 : i32
    %dma_start3A_53 = arith.constant 0 : i32
    %dma_start3A_54 = tpu.memref_slice %arg4[%add3A_52, %dma_start3A_53] : memref<32768x1024xf32, #tpu.memory_space<hbm>> -> memref<32x1024xf32, #tpu.memory_space<hbm>>
    %dma_start3A_55 = arith.constant 0 : i32
    %dma_start3A_56 = tpu.memref_slice %arg4[%add3A_52, %dma_start3A_55] : memref<32768x1024xf32, #tpu.memory_space<hbm>> -> memref<32x1024xf32, #tpu.memory_space<hbm>>
    tpu.enqueue_dma source(%arg7 : memref<32x1024xf32, #tpu.memory_space<vmem>>) target(%dma_start3A_56 : memref<32x1024xf32, #tpu.memory_space<hbm>>) target_semaphore(%arg13 : memref<!tpu.dma_semaphore, #tpu.memory_space<semaphore_mem>>)
    %dma_wait3A_57 = arith.constant 0 : i32
    %dma_wait3A_58 = tpu.memref_slice %arg4[%mul3A_2, %dma_wait3A_57] : memref<32768x1024xf32, #tpu.memory_space<hbm>> -> memref<32x1024xf32, #tpu.memory_space<hbm>>
    %dma_wait3A_59 = arith.constant 0 : i32
    %dma_wait3A_60 = tpu.memref_slice %arg4[%mul3A_2, %dma_wait3A_59] : memref<32768x1024xf32, #tpu.memory_space<hbm>> -> memref<32x1024xf32, #tpu.memory_space<hbm>>
    tpu.wait_dma2 semaphore(%arg13 : memref<!tpu.dma_semaphore, #tpu.memory_space<semaphore_mem>>) src(%arg7 : memref<32x1024xf32, #tpu.memory_space<vmem>>) dst(%dma_wait3A_60 : memref<32x1024xf32, #tpu.memory_space<hbm>>)
    return
  }
}

</mosaic_0001>

<sc_bundles>
// kernel: _lookup.3.cloned.1.call-start
scs
__scs_entry_jumppad:
0x0: {  	(pc) =	sbr.rel $0x88, $3  }
0x1: {  	(tag) =	ssettag $0x0;
	lr =	simm.s32 $0x1  }
0x2: {  	[smem:$0x3F9F] =	sst lr;
	_ =	strace $0xD0000000  }
0x3: {  	_ = 	snop  }
0x4: {  	_ = 	snop  }
0x5: {  	_ = 	snop  }
0x6: {  	_ = 	snop  }
0x7: {  	_ = 	snop  }
__scs_overlays_trampoline_lowered:
0x8: {  	[smem:$0x3FAE] =	sst s0  }
0x9: {  	[smem:$0x3FAF] =	sst s1  }
0xa: {  	[smem:$0x3FB0] =	sst s2  }
0xb: {  	[smem:$0x3FB1] =	sst s3  }
0xc: {  	[smem:$0x3FB2] =	sst s4  }
0xd: {  	[smem:$0x3FB3] =	sst s5  }
0xe: {  	[smem:$0x3FB4] =	sst s6  }
0xf: {  	[smem:$0x3FB5] =	sst s7  }
0x10: {  	[smem:$0x3FB6] =	sst s8  }
0x11: {  	[smem:$0x3FB7] =	sst s9;
	s0 =	simm.s32 @!p0 $0x0  }
0x12: {  	s1 =	sld [smem:$0x3F9D];
	s0 =	simm.s32 @p0 $0x1  }
0x13: {  	[smem:$0x3FB8] =	sst s0;
	s0 =	simm.s32 @!p1 $0x0  }
0x14: {  	s2 =	sld [smem:$0x3F9C];
	s0 =	simm.s32 @p1 $0x1  }
0x15: {  	[smem:$0x3FB9] =	sst s0;
	s0 =	simm.s32 @!p2 $0x0  }
0x16: {  	s3 =	sld [smem:$0x3FDB];
	s0 =	simm.s32 @p2 $0x1  }
0x17: {  	s4 =	simm.s32 $0x1BF5;
	[smem:$0x3FBB] =	sst s0  }
0x18: {  	s0 =	sld [smem:$0x3F9E];
	_ =	swait.ge [sflag:s4], $0x0  }
0x19: {  	s7 =	sld [smem:$0x3F9F]  }
0x1a: {  	s8 =	sadd.s32 $0xFFFFE003, lr  }
0x1b: {  	s9 =	sadd.s32 $0xFFFFFEF7, lr;
	s5 =	simm.s32 $0xFFFFFFFF;
	p2 =	slt.u32 s8, $0xFFFFF086  }
0x1c: {  	p1 =	slt.u32 s9, $0xF7A;
	s5 =	simm.s32 @!p2 $0x0  }
0x1d: {  	s5 =	simm.s32 @p1 $0x1;
	p0 =	seq.s32 s7, s2  }
0x1e: {  	s7 =	smul.u32 @!p0 $0xF7A, s2;
	p2 =	seq.s32 @!p0 s5, $0x0  }
0x1f: {  	s9 =	smul.u32 $0xF7A, s1;
	s8 =	simm.s32 @!p0 $0x1BF5;
	p2 =	por !p2, p0  }
0x20: {  	[sflag:s8] =	ssyncset.s32 @!p0 $0xFFFFF086;
	s6 =	sadd.s32 @!p0 s3, s7;
	s7 =	simm.s32 @!p0 $0x108  }
0x21: {  	s3 =	sadd.s32 s3, s9;
	s6 =	sadd.s32 @!p0 $0x88, s6;
	s7 =	simm.s32 @p2 $0x1082  }
0x22: {  	[simem:s7], [sflag:s8] =	dma.local @!p0 [hbm:s6], $0xF7A  }
0x23: {  	s9 =	sor.u32 $0xD0000000, s2;
	s6 =	simm.s32 $0x108;
	_ =	swait.ge @!p0 [sflag:s8], $0x0  }
0x24: {  	s3 =	sadd.s32 $0x88, s3;
	s6 =	simm.s32 @!p1 $0x1082;
	[sflag:s4] =	ssyncset.s32 $0xFFFFF086  }
0x25: {  	[simem:s6], [sflag:s4] =	dma.local [hbm:s3], $0xF7A  }
0x26: {  	[smem:$0x3F9F] =	sst s1;
	(tag) =	ssettag s2;
	_ =	strace s9  }
0x27: {  	s1 =	sld [smem:$0x3FAF]  }
0x28: {  	s2 =	sld [smem:$0x3FB0]  }
0x29: {  	s4 =	sld [smem:$0x3FB2]  }
0x2a: {  	p0 =	seq.s32 s5, $0x0;
	s5 =	sld [smem:$0x3FB3]  }
0x2b: {  	s6 =	sld [smem:$0x3FB4]  }
0x2c: {  	s7 =	sld [smem:$0x3FB5]  }
0x2d: {  	s3 =	simm.s32 $0x108;
	s8 =	sld [smem:$0x3FB6]  }
0x2e: {  	s3 =	simm.s32 @!p0 $0x1082;
	s9 =	sld [smem:$0x3FB7]  }
0x2f: {  	lr =	sadd.s32 s0, s3;
	s0 =	sld [smem:$0x3FAE]  }
0x30: {  	s3 =	sld [smem:$0x3FB1]  }
0x31: {  	[smem:$0x3FBA] =	sst s10  }
0x32: {  	s10 =	sld [smem:$0x3FB8];
	_ =	sdelay $0x3  }
0x33: {  	p0 =	seq.s32 s10, $0x1;
	s10 =	sld [smem:$0x3FBA];
	_ =	sdelay $0x3  }
0x34: {  	[smem:$0x3FBA] =	sst s10  }
0x35: {  	s10 =	sld [smem:$0x3FB9];
	_ =	sdelay $0x3  }
0x36: {  	p1 =	seq.s32 s10, $0x1;
	s10 =	sld [smem:$0x3FBA];
	_ =	sdelay $0x3  }
0x37: {  	[smem:$0x3FBA] =	sst s10  }
0x38: {  	s10 =	sld [smem:$0x3FBB]  }
0x39: {  	_ = 	snop;
	(pc) =	sbr.ind lr, $3  }
0x3a: {  	_ = 	snop  }
0x3b: {  	_ = 	snop  }
0x3c: {  	p2 =	seq.s32 s10, $0x1;
	s10 =	sld [smem:$0x3FBA]  }
0x3d: {  	_ =	shalt  }
0x3e: {  	_ =	shalt  }
0x3f: {  	_ =	shalt  }
0x40: {  	_ =	shalt  }
0x41: {  	_ =	shalt  }
0x42: {  	_ =	shalt  }
0x43: {  	_ =	shalt  }
0x44: {  	_ =	shalt  }
0x45: {  	_ =	shalt  }
0x46: {  	_ =	shalt  }
0x47: {  	_ =	shalt  }
0x48: {  	_ =	shalt  }
0x49: {  	_ =	shalt  }
0x4a: {  	_ =	shalt  }
0x4b: {  	_ =	shalt  }
0x4c: {  	_ =	shalt  }
0x4d: {  	_ =	shalt  }
0x4e: {  	_ =	shalt  }
0x4f: {  	_ =	shalt  }
0x50: {  	_ =	shalt  }
0x51: {  	_ =	shalt  }
0x52: {  	_ =	shalt  }
0x53: {  	_ =	shalt  }
0x54: {  	_ =	shalt  }
0x55: {  	_ =	shalt  }
0x56: {  	_ =	shalt  }
0x57: {  	_ =	shalt  }
0x58: {  	_ =	shalt  }
0x59: {  	_ =	shalt  }
0x5a: {  	_ =	shalt  }
0x5b: {  	_ =	shalt  }
0x5c: {  	_ =	shalt  }
0x5d: {  	_ =	shalt  }
0x5e: {  	_ =	shalt  }
0x5f: {  	_ =	shalt  }
0x60: {  	_ =	shalt  }
0x61: {  	_ =	shalt  }
0x62: {  	_ =	shalt  }
0x63: {  	_ =	shalt  }
0x64: {  	_ =	shalt  }
0x65: {  	_ =	shalt  }
0x66: {  	_ =	shalt  }
0x67: {  	_ =	shalt  }
0x68: {  	_ =	shalt  }
0x69: {  	_ =	shalt  }
0x6a: {  	_ =	shalt  }
0x6b: {  	_ =	shalt  }
0x6c: {  	_ =	shalt  }
0x6d: {  	_ =	shalt  }
0x6e: {  	_ =	shalt  }
0x6f: {  	_ =	shalt  }
0x70: {  	_ =	shalt  }
0x71: {  	_ =	shalt  }
0x72: {  	_ =	shalt  }
0x73: {  	_ =	shalt  }
0x74: {  	_ =	shalt  }
0x75: {  	_ =	shalt  }
0x76: {  	_ =	shalt  }
0x77: {  	_ =	shalt  }
0x78: {  	_ =	shalt  }
0x79: {  	_ =	shalt  }
0x7a: {  	_ =	shalt  }
0x7b: {  	_ =	shalt  }
0x7c: {  	_ =	shalt  }
0x7d: {  	_ =	shalt  }
0x7e: {  	_ =	shalt  }
0x7f: {  	_ =	shalt  }
0x80: {  	_ =	shalt  }
0x81: {  	_ =	shalt  }
0x82: {  	_ =	shalt  }
0x83: {  	_ =	shalt  }
0x84: {  	_ =	shalt  }
0x85: {  	_ =	shalt  }
0x86: {  	_ =	shalt  }
0x87: {  	_ =	shalt  }
.Lfunc_end0:
.L_simem_size_0:
called_computation_lowered:
.L_overlay_start_0:
0x88: {  	s2 =	sld [smem:$0x3FD9]  }
0x89: {  	s3 =	sld [smem:$0x3FFE];
	_ =	sdelay $0x1  }
0x8a: {  	s1 =	srdreg.scid  }
0x8b: {  	s0 =	sand.u32 $0x1, s1  }
0x8c: {  	s18 =	sshll.u32 s0, $0xA;
	s2 =	sadd.s32 s3, s2  }
0x8d: {  	s2 =	sadd.s32 s2, s18  }
0x8e: {  	[smem:$0x3FC6] =	sst s2  }
0x8f: {  	_ = 	snop  }
0x90: {  	s2 =	sld [smem:$0x3FC9]  }
0x91: {  	s19 =	sld [smem:$0x3FC8]  }
0x92: {  	s4 =	sld [smem:$0x3FD0];
	(tm) =	ssettm $0x1  }
0x93: {  	s5 =	sld [smem:$0x3FFB];
	_ =	sdelay $0x3  }
0x94: {  	_ =	strace s5  }
0x95: {  	s5 =	sld [smem:$0x3FFC];
	_ =	sdelay $0x3  }
0x96: {  	_ =	strace s5  }
0x97: {  	s5 =	sld [smem:$0x3FFD];
	_ =	sdelay $0x3  }
0x98: {  	_ =	strace s5  }
0x99: {  	_ =	strace $0x8FFFFFFF  }
0x9a: {  	s20 =	sld [smem:$0x3FDB];
	_ =	sdelay $0x1  }
0x9b: {  	s6 =	simm.s32 $_scs_section_size  }
0x9c: {  	s7 =	simm.s32 $_size__tile_overlayer_lowered;
	s8 =	simm.s32 $_tile_overlayer_lowered  }
0x9d: {  	s23 =	simm.s32 $0x1BFF;
	s22 =	sshll.u32 s8, $0x1;
	s5 =	sadd.s32 s6, s20  }
0x9e: {  	s9 =	simm.s32 $0x0;
	s21 =	sshll.u32 s7, $0x1;
	s7 =	sadd.s32 s22, s5  }
0x9f: {  	[timem:s9], [sflag:s23] =	dma.local [hbm:s7], s21  }
0xa0: {  	_ =	swait.ge [sflag:s23], s21  }
0xa1: {  	s6 =	ssub.s32 $0x0, s21;
	[sflag:s23] =	ssyncset.done $0x0  }
0xa2: {  	[sflag:s23] =	ssyncadd.s32 s6;
	_ =	sdelay $0x1  }
0xa3: {  	s24 =	simm.s32 $0x1B8B  }
0xa4: {  	_ =	swait.ge [sflag:s24], $0x1  }
0xa5: {  	[sflag:s24] =	ssyncset.done $0x0  }
0xa6: {  	s25 =	simm.s32 $0x1B8E;
	[sflag:s24] =	ssyncadd.s32 $0xFFFFFFFF  }
0xa7: {  	s26 =	simm.s32 $execute0_lowered;
	[smem:$0x3FD2] =	sst s25  }
0xa8: {  	s6 =	sshll.u32 s26, $0x1;
	_ =	strace $0x80000046;
	[dreg:$0x1] =	wrdreg $0xFFFFFFFF  }
0xa9: {  	s28 =	simm.s32 $_size_execute0_lowered;
	s5 =	sadd.s32 s5, s6;
	[dreg:$0x0] =	wrdreg $0x0  }
0xaa: {  	s6 =	sshll.u32 s28, $0x1;
	[dreg:$0x2] =	wrdreg s5  }
0xab: {  	[dreg:$0x3] =	wrdreg s6  }
0xac: {  	[dreg:$0x4] =	wrdreg $0xC0  }
0xad: {  	_ =	task [dreg:s9], $0x5FFFF  }
0xae: {  	[dreg:$0x1] =	wrdreg $0xFFFFFFFF  }
0xaf: {  	[dreg:$0x0] =	wrdreg $0x60  }
0xb0: {  	[dreg:$0x2] =	wrdreg s2  }
0xb1: {  	[dreg:$0x3] =	wrdreg s19  }
0xb2: {  	[dreg:$0x4] =	wrdreg s4  }
0xb3: {  	[dreg:$0x5] =	wrdreg $0x9  }
0xb4: {  	_ =	task.clear_ibuf [dreg:s9], $0x6FFFF;
	_ =	strace $0x90000046  }
0xb5: {  	s29 =	simm.s32 $0x9;
	_ =	strace $0x80000048  }
0xb6: {  	_ =	swait.ge [sflag:s29], $0x1  }
0xb7: {  	[sflag:s29] =	ssyncadd.s32 $0xFFFFFFFF  }
0xb8: {  	_ =	strace $0x90000048  }
0xb9: {  	_ =	sfence  }
0xba: {  	s30 =	sld [smem:$0x0];
	_ =	sdelay $0x2  }
0xbb: {  	s31 =	sshll.u32 s1, $0xD;
	s1 =	sshrl.u32 s1, $0x2  }
0xbc: {  	s3 =	sand.u32 $0x4000, s31;
	s1 =	sadd.s32 s1, s30  }
0xbd: {  	s0 =	sor.u32 s3, s0;
	s1 =	sshll.u32 s1, $0x11  }
0xbe: {  	s0 =	sor.u32 s1, s0  }
0xbf: {  	s0 =	sadd.s32 $0x8F2B, s0  }
0xc0: {  	[sflag:s0] =	ssyncadd.remote.s32 $0x1  }
0xc1: {  	_ =	sfence.sel $0xFFFF  }
0xc2: {  	[dreg:$0x0] =	wrdreg $0xFFFFFFFF;
	(pc) =	sbr.abs _section_cstart, $3  }
0xc3: {  	[dreg:$0x1] =	wrdreg $0xFFFFFFFF  }
0xc4: {  	_ =	task.clear_ibuf [dreg:s9], $0x2FFFF;
	_ =	strace $0x9FFFFFFF  }
0xc5: {  	(tm) =	ssettm $0x7FFFFFFF  }
tec
execute0_lowered:
.L_overlay_start_1:
0x0: {  	(tag) =	ssettag $0x1  }
0x1: {  	s1 =	rddreg [dreg:$0x0]  }
0x2: {  	s0 =	rddreg [dreg:$0x1]  }
0x3: {  	s2 =	rddreg [dreg:$0x2]  }
0x4: {  	s3 =	srdreg.scid;
	s10 =	stileid.u32  }
0x5: {  	s30 =	simm.s32 $0x1800;
	s31 =	simm.s32 $0x2000;
	s11 =	simm.s32 $0x5000  }
0x6: {  	s13 =	simm.s32 $0x5800;
	s14 =	simm.s32 $0x6000;
	s15 =	simm.s32 $0x6800  }
0x7: {  	s16 =	simm.s32 $0x7000;
	s17 =	simm.s32 $0x7800;
	s18 =	simm.s32 $0x8000  }
0x8: {  	s29 =	simm.s32 $0x9000;
	s12 =	simm.s32 $0x9800;
	s28 =	simm.s32 $0xA000  }
0x9: {  	s4 =	sand.u32 $0x1, s3;
	s3 =	simm.s32 $0x0;
	s6 =	sshll.u32 s10, $0x1  }
0xa: {  	s21 =	sshll.u32 s10, $0x12;
	s10 =	simm.s32 $0x4000;
	s5 =	ssub.s32 $0x2, s4  }
0xb: {  	[smem:$0x7FF] =	sst s3;
	s8 =	sor.u32 s4, s6;
	s6 =	sadd.s32 $0x200, s1  }
0xc: {  	s23 =	sadd.s32 s21, s2;
	s24 =	sshll.u32 s4, $0x11;
	s4 =	simm.s32 $0x3000  }
0xd: {  	s21 =	simm.s32 $0x2;
	s7 =	sshrl.u32 s5, $0x1;
	_ =	strace $0x80000047  }
0xe: {  	s19 =	sshll.u32 s8, $0x9;
	s20 =	sshll.u32 s8, $0x11;
	s8 =	simm.s32 $0x4800  }
0xf: {  	s9 =	ssub.s32 s5, s7;
	s0 =	sadd.s32 s0, s19;
	s5 =	sadd.s32 $0x100, s1  }
0x10: {  	s7 =	sadd.s32 $0x300, s1;
	s22 =	sadd.s32 s2, s20;
	s2 =	simm.s32 $0x2800  }
0x11: {  	s20 =	simm.s32 $0x8800;
	s19 =	simm.s32 $0x1;
	[dreg:$0x5] =	wrdreg s0  }
0x12: {  	[dreg:$0x6] =	wrdreg s22;
	s25 =	sadd.s32 $0x1F000, s22;
	s26 =	smax.u32 s9, $0x1  }
0x13: {  	s0 =	sadd.s32 s24, s23;
	s9 =	simm.s32 $0x3800;
	[dreg:$0x7] =	wrdreg s25  }
0x14: {  	v2 =	vlaneseq.u32;
	s22 =	simm.s32 $0x4;
	s23 =	simm.s32 $0x3;
	[dreg:$0x8] =	wrdreg s26  }
0x15: {  	vm0 =	vmmov $0xffff;
	v1 =	vshrl.u32 v2, $0x3;
	s24 =	simm.s32 $0x5;
	[dreg:$0x4] =	wrdreg s0;
	s0 =	simm.s32 $0x0  }
0x16: {  	v0 =	vand.u32 $0x7, v2;
	v2 =	vor.u32 $0x8, v2;
	v1 =	vmul.u32 $0x8, v1;
	s26 =	simm.s32 $0x1000;
	s25 =	simm.s32 $0x6;
	[dreg:$0x9] =	wrdreg s0  }
.LBB2_1:
0x17: {  	s0 =	rddreg [dreg:$0x5]  }
0x18: {  	[tilespmem:s3], [sflag:$0x7] =	stream.linear.gather [hbm4b:s0+s3], $0x1000, $0x38;
	[tilespmem:$0x19000] =	vst v63  }
0x19: {  	s0 =	simm.s32 $0x7  }
0x1a: {  	_ =	swait.ge [sflag:s0], $0x1000  }
0x1b: {  	[sflag:s0] =	ssyncset.done $0x0  }
0x1c: {  	[sflag:s0] =	ssyncadd.s32 $0xFFFFF000  }
0x1d: {  	v3 =	vld [tilespmem:$0x0];
	_ =	sdelay $0x4  }
0x1e: {  	v4 =	vshll.u32 v3, $0x3  }
0x1f: {  	v3 =	vand.u32 $0x7, v3;
	v4 =	vand.u32 $0xFFFFFFC0, v4  }
0x20: {  	v3 =	vor.u32 v3, v4  }
0x21: {  	v4 =	vperm.xlane v3, v0;
	_ =	sdelay $0x1  }
0x22: {  	v4 =	vadd.s32 v1, v4;
	_ =	sdelay $0x4  }
0x23: {  	[tilespmem:s26], [sflag:$0x1] =	stream.indirect_vreg.gather [hbm4b:s1+s3], $0x80, v4, vm0, $0xb8;
	[tilespmem:$0x19000] =	vst v63  }
0x24: {  	v3 =	vperm.xlane v3, v2  }
0x25: {  	[tilespmem:s30], [sflag:$0x1] =	stream.indirect_vreg.gather [hbm4b:s5+s3], $0x80, v4, vm0, $0xb8;
	[tilespmem:$0x19000] =	vst v63  }
0x26: {  	v3 =	vadd.s32 v1, v3  }
0x27: {  	[tilespmem:s31], [sflag:$0x1] =	stream.indirect_vreg.gather [hbm4b:s6+s3], $0x80, v4, vm0, $0xb8;
	[tilespmem:$0x19000] =	vst v63  }
0x28: {  	_ = 	snop  }
0x29: {  	[tilespmem:s2], [sflag:$0x1] =	stream.indirect_vreg.gather [hbm4b:s7+s3], $0x80, v4, vm0, $0xb8;
	[tilespmem:$0x19000] =	vst v63  }
0x2a: {  	_ = 	snop  }
0x2b: {  	[tilespmem:s4], [sflag:$0x1] =	stream.indirect_vreg.gather [hbm4b:s1+s3], $0x80, v3, vm0, $0xb8;
	[tilespmem:$0x19000] =	vst v63  }
0x2c: {  	_ = 	snop  }
0x2d: {  	[tilespmem:s9], [sflag:$0x1] =	stream.indirect_vreg.gather [hbm4b:s5+s3], $0x80, v3, vm0, $0xb8;
	[tilespmem:$0x19000] =	vst v63  }
0x2e: {  	_ = 	snop  }
0x2f: {  	[tilespmem:s10], [sflag:$0x1] =	stream.indirect_vreg.gather [hbm4b:s6+s3], $0x80, v3, vm0, $0xb8;
	[tilespmem:$0x19000] =	vst v63  }
0x30: {  	_ = 	snop  }
0x31: {  	[tilespmem:s8], [sflag:$0x1] =	stream.indirect_vreg.gather [hbm4b:s7+s3], $0x80, v3, vm0, $0xb8;
	[tilespmem:$0x19000] =	vst v63  }
0x32: {  	v3 =	vld [tilespmem:$0x10];
	_ =	sdelay $0x4  }
0x33: {  	v59 =	vshll.u32 v3, $0x3  }
0x34: {  	v3 =	vand.u32 $0x7, v3;
	v4 =	vand.u32 $0xFFFFFFC0, v59  }
0x35: {  	v3 =	vor.u32 v3, v4  }
0x36: {  	v4 =	vperm.xlane v3, v0;
	_ =	sdelay $0x1  }
0x37: {  	v4 =	vadd.s32 v1, v4;
	_ =	sdelay $0x4  }
0x38: {  	[tilespmem:s11], [sflag:$0x1] =	stream.indirect_vreg.gather [hbm4b:s1+s3], $0x80, v4, vm0, $0xb8;
	[tilespmem:$0x19000] =	vst v63  }
0x39: {  	v3 =	vperm.xlane v3, v2  }
0x3a: {  	[tilespmem:s13], [sflag:$0x1] =	stream.indirect_vreg.gather [hbm4b:s5+s3], $0x80, v4, vm0, $0xb8;
	[tilespmem:$0x19000] =	vst v63  }
0x3b: {  	v3 =	vadd.s32 v1, v3  }
0x3c: {  	[tilespmem:s14], [sflag:$0x1] =	stream.indirect_vreg.gather [hbm4b:s6+s3], $0x80, v4, vm0, $0xb8;
	[tilespmem:$0x19000] =	vst v63  }
0x3d: {  	_ = 	snop  }
0x3e: {  	[tilespmem:s15], [sflag:$0x1] =	stream.indirect_vreg.gather [hbm4b:s7+s3], $0x80, v4, vm0, $0xb8;
	[tilespmem:$0x19000] =	vst v63  }
0x3f: {  	_ = 	snop  }
0x40: {  	[tilespmem:s16], [sflag:$0x1] =	stream.indirect_vreg.gather [hbm4b:s1+s3], $0x80, v3, vm0, $0xb8;
	[tilespmem:$0x19000] =	vst v63  }
0x41: {  	_ = 	snop  }
0x42: {  	[tilespmem:s17], [sflag:$0x1] =	stream.indirect_vreg.gather [hbm4b:s5+s3], $0x80, v3, vm0, $0xb8;
	[tilespmem:$0x19000] =	vst v63  }
0x43: {  	_ = 	snop  }
0x44: {  	[tilespmem:s18], [sflag:$0x1] =	stream.indirect_vreg.gather [hbm4b:s6+s3], $0x80, v3, vm0, $0xb8;
	[tilespmem:$0x19000] =	vst v63  }
0x45: {  	_ = 	snop  }
0x46: {  	[tilespmem:s20], [sflag:$0x1] =	stream.indirect_vreg.gather [hbm4b:s7+s3], $0x80, v3, vm0, $0xb8;
	[tilespmem:$0x19000] =	vst v63  }
0x47: {  	v3 =	vld [tilespmem:$0x80];
	_ =	sdelay $0x4  }
0x48: {  	v60 =	vshll.u32 v3, $0x3  }
0x49: {  	v3 =	vand.u32 $0x7, v3;
	v4 =	vand.u32 $0xFFFFFFC0, v60  }
0x4a: {  	v3 =	vor.u32 v3, v4  }
0x4b: {  	v4 =	vperm.xlane v3, v0;
	_ =	sdelay $0x1  }
0x4c: {  	v4 =	vadd.s32 v1, v4;
	_ =	sdelay $0x4  }
0x4d: {  	[tilespmem:s29], [sflag:$0x2] =	stream.indirect_vreg.gather [hbm4b:s1+s3], $0x80, v4, vm0, $0xb8;
	[tilespmem:$0x19000] =	vst v63  }
0x4e: {  	v3 =	vperm.xlane v3, v2  }
0x4f: {  	[tilespmem:s12], [sflag:$0x2] =	stream.indirect_vreg.gather [hbm4b:s5+s3], $0x80, v4, vm0, $0xb8;
	[tilespmem:$0x19000] =	vst v63  }
0x50: {  	v3 =	vadd.s32 v1, v3  }
0x51: {  	[tilespmem:s28], [sflag:$0x2] =	stream.indirect_vreg.gather [hbm4b:s6+s3], $0x80, v4, vm0, $0xb8;
	[tilespmem:$0x19000] =	vst v63  }
0x52: {  	s18 =	simm.s32 $0xA800  }
0x53: {  	[tilespmem:s18], [sflag:$0x2] =	stream.indirect_vreg.gather [hbm4b:s7+s3], $0x80, v4, vm0, $0xb8;
	[tilespmem:$0x19000] =	vst v63  }
0x54: {  	s20 =	simm.s32 $0xB000  }
0x55: {  	[tilespmem:s20], [sflag:$0x2] =	stream.indirect_vreg.gather [hbm4b:s1+s3], $0x80, v3, vm0, $0xb8;
	[tilespmem:$0x19000] =	vst v63  }
0x56: {  	s2 =	simm.s32 $0xB800  }
0x57: {  	[tilespmem:s2], [sflag:$0x2] =	stream.indirect_vreg.gather [hbm4b:s5+s3], $0x80, v3, vm0, $0xb8;
	[tilespmem:$0x19000] =	vst v63  }
0x58: {  	s4 =	simm.s32 $0xC000  }
0x59: {  	[tilespmem:s4], [sflag:$0x2] =	stream.indirect_vreg.gather [hbm4b:s6+s3], $0x80, v3, vm0, $0xb8;
	[tilespmem:$0x19000] =	vst v63  }
0x5a: {  	s8 =	simm.s32 $0xC800  }
0x5b: {  	[tilespmem:s8], [sflag:$0x2] =	stream.indirect_vreg.gather [hbm4b:s7+s3], $0x80, v3, vm0, $0xb8;
	[tilespmem:$0x19000] =	vst v63  }
0x5c: {  	v3 =	vld [tilespmem:$0x90];
	_ =	sdelay $0x4  }
0x5d: {  	v61 =	vshll.u32 v3, $0x3  }
0x5e: {  	v3 =	vand.u32 $0x7, v3;
	v4 =	vand.u32 $0xFFFFFFC0, v61  }
0x5f: {  	v3 =	vor.u32 v3, v4  }
0x60: {  	v4 =	vperm.xlane v3, v0;
	_ =	sdelay $0x1  }
0x61: {  	v4 =	vadd.s32 v1, v4;
	_ =	sdelay $0x3  }
0x62: {  	s9 =	simm.s32 $0xD000  }
0x63: {  	[tilespmem:s9], [sflag:$0x2] =	stream.indirect_vreg.gather [hbm4b:s1+s3], $0x80, v4, vm0, $0xb8;
	[tilespmem:$0x19000] =	vst v63  }
0x64: {  	s10 =	simm.s32 $0xD800;
	v3 =	vperm.xlane v3, v2  }
0x65: {  	[tilespmem:s10], [sflag:$0x2] =	stream.indirect_vreg.gather [hbm4b:s5+s3], $0x80, v4, vm0, $0xb8;
	[tilespmem:$0x19000] =	vst v63  }
0x66: {  	s11 =	simm.s32 $0xE000;
	v3 =	vadd.s32 v1, v3  }
0x67: {  	[tilespmem:s11], [sflag:$0x2] =	stream.indirect_vreg.gather [hbm4b:s6+s3], $0x80, v4, vm0, $0xb8;
	[tilespmem:$0x19000] =	vst v63  }
0x68: {  	s12 =	simm.s32 $0xE800  }
0x69: {  	[tilespmem:s12], [sflag:$0x2] =	stream.indirect_vreg.gather [hbm4b:s7+s3], $0x80, v4, vm0, $0xb8;
	[tilespmem:$0x19000] =	vst v63  }
0x6a: {  	s13 =	simm.s32 $0xF000  }
0x6b: {  	[tilespmem:s13], [sflag:$0x2] =	stream.indirect_vreg.gather [hbm4b:s1+s3], $0x80, v3, vm0, $0xb8;
	[tilespmem:$0x19000] =	vst v63  }
0x6c: {  	s14 =	simm.s32 $0xF800  }
0x6d: {  	[tilespmem:s14], [sflag:$0x2] =	stream.indirect_vreg.gather [hbm4b:s5+s3], $0x80, v3, vm0, $0xb8;
	[tilespmem:$0x19000] =	vst v63  }
0x6e: {  	s15 =	simm.s32 $0x10000  }
0x6f: {  	[tilespmem:s15], [sflag:$0x2] =	stream.indirect_vreg.gather [hbm4b:s6+s3], $0x80, v3, vm0, $0xb8;
	[tilespmem:$0x19000] =	vst v63  }
0x70: {  	s16 =	simm.s32 $0x10800  }
0x71: {  	[tilespmem:s16], [sflag:$0x2] =	stream.indirect_vreg.gather [hbm4b:s7+s3], $0x80, v3, vm0, $0xb8;
	[tilespmem:$0x19000] =	vst v63  }
0x72: {  	_ =	swait.ge [sflag:s19], $0x8000  }
0x73: {  	[sflag:s19] =	ssyncset.done $0x0  }
0x74: {  	[sflag:s19] =	ssyncadd.s32 $0xFFFF8000  }
0x75: {  	v3 =	vld [tilespmem:$0x100];
	_ =	sdelay $0x4  }
0x76: {  	v62 =	vshll.u32 v3, $0x3  }
0x77: {  	v3 =	vand.u32 $0x7, v3;
	v4 =	vand.u32 $0xFFFFFFC0, v62  }
0x78: {  	v3 =	vor.u32 v3, v4  }
0x79: {  	v4 =	vperm.xlane v3, v0;
	_ =	sdelay $0x1  }
0x7a: {  	v4 =	vadd.s32 v1, v4;
	_ =	sdelay $0x3  }
0x7b: {  	s17 =	simm.s32 $0x11000  }
0x7c: {  	[tilespmem:s17], [sflag:$0x3] =	stream.indirect_vreg.gather [hbm4b:s1+s3], $0x80, v4, vm0, $0xb8;
	[tilespmem:$0x19000] =	vst v63  }
0x7d: {  	s18 =	simm.s32 $0x11800;
	v3 =	vperm.xlane v3, v2  }
0x7e: {  	[tilespmem:s18], [sflag:$0x3] =	stream.indirect_vreg.gather [hbm4b:s5+s3], $0x80, v4, vm0, $0xb8;
	[tilespmem:$0x19000] =	vst v63  }
0x7f: {  	s20 =	simm.s32 $0x12000;
	v3 =	vadd.s32 v1, v3  }
0x80: {  	[tilespmem:s20], [sflag:$0x3] =	stream.indirect_vreg.gather [hbm4b:s6+s3], $0x80, v4, vm0, $0xb8;
	[tilespmem:$0x19000] =	vst v63  }
0x81: {  	s2 =	simm.s32 $0x12800  }
0x82: {  	[tilespmem:s2], [sflag:$0x3] =	stream.indirect_vreg.gather [hbm4b:s7+s3], $0x80, v4, vm0, $0xb8;
	[tilespmem:$0x19000] =	vst v63  }
0x83: {  	s4 =	simm.s32 $0x13000  }
0x84: {  	[tilespmem:s4], [sflag:$0x3] =	stream.indirect_vreg.gather [hbm4b:s1+s3], $0x80, v3, vm0, $0xb8;
	[tilespmem:$0x19000] =	vst v63  }
0x85: {  	s8 =	simm.s32 $0x13800  }
0x86: {  	[tilespmem:s8], [sflag:$0x3] =	stream.indirect_vreg.gather [hbm4b:s5+s3], $0x80, v3, vm0, $0xb8;
	[tilespmem:$0x19000] =	vst v63  }
0x87: {  	s9 =	simm.s32 $0x14000  }
0x88: {  	[tilespmem:s9], [sflag:$0x3] =	stream.indirect_vreg.gather [hbm4b:s6+s3], $0x80, v3, vm0, $0xb8;
	[tilespmem:$0x19000] =	vst v63  }
0x89: {  	s10 =	simm.s32 $0x14800  }
0x8a: {  	[tilespmem:s10], [sflag:$0x3] =	stream.indirect_vreg.gather [hbm4b:s7+s3], $0x80, v3, vm0, $0xb8;
	[tilespmem:$0x19000] =	vst v63  }
0x8b: {  	v3 =	vld [tilespmem:$0x110];
	_ =	sdelay $0x4  }
0x8c: {  	v63 =	vshll.u32 v3, $0x3  }
0x8d: {  	v3 =	vand.u32 $0x7, v3;
	v4 =	vand.u32 $0xFFFFFFC0, v63  }
0x8e: {  	v3 =	vor.u32 v3, v4  }
0x8f: {  	v4 =	vperm.xlane v3, v0;
	_ =	sdelay $0x1  }
0x90: {  	v4 =	vadd.s32 v1, v4;
	_ =	sdelay $0x3  }
0x91: {  	s11 =	simm.s32 $0x15000  }
0x92: {  	[tilespmem:s11], [sflag:$0x3] =	stream.indirect_vreg.gather [hbm4b:s1+s3], $0x80, v4, vm0, $0xb8;
	[tilespmem:$0x19000] =	vst v63  }
0x93: {  	s12 =	simm.s32 $0x15800;
	v3 =	vperm.xlane v3, v2  }
0x94: {  	[tilespmem:s12], [sflag:$0x3] =	stream.indirect_vreg.gather [hbm4b:s5+s3], $0x80, v4, vm0, $0xb8;
	[tilespmem:$0x19000] =	vst v63  }
0x95: {  	s28 =	simm.s32 $0x0;
	s13 =	simm.s32 $0x16000;
	v3 =	vadd.s32 v1, v3  }
0x96: {  	[tilespmem:s13], [sflag:$0x3] =	stream.indirect_vreg.gather [hbm4b:s6+s3], $0x80, v4, vm0, $0xb8;
	[tilespmem:$0x19000] =	vst v63  }
0x97: {  	s14 =	simm.s32 $0x16800;
	s15 =	simm.s32 $0x17000;
	s16 =	simm.s32 $0x17800  }
0x98: {  	[tilespmem:s14], [sflag:$0x3] =	stream.indirect_vreg.gather [hbm4b:s7+s3], $0x80, v4, vm0, $0xb8;
	[tilespmem:$0x19000] =	vst v63  }
0x99: {  	s17 =	simm.s32 $0x18000;
	s18 =	simm.s32 $0x18800;
	s20 =	rddreg [dreg:$0x6]  }
0x9a: {  	[tilespmem:s15], [sflag:$0x3] =	stream.indirect_vreg.gather [hbm4b:s1+s3], $0x80, v3, vm0, $0xb8;
	[tilespmem:$0x19000] =	vst v63  }
0x9b: {  	s2 =	simm.s32 $0x1000;
	s4 =	simm.s32 $0xA000;
	s8 =	simm.s32 $0x4800  }
0x9c: {  	[tilespmem:s16], [sflag:$0x3] =	stream.indirect_vreg.gather [hbm4b:s5+s3], $0x80, v3, vm0, $0xb8;
	[tilespmem:$0x19000] =	vst v63  }
0x9d: {  	s9 =	simm.s32 $0x3800;
	s10 =	simm.s32 $0x4000;
	s11 =	simm.s32 $0x5000  }
0x9e: {  	[tilespmem:s17], [sflag:$0x3] =	stream.indirect_vreg.gather [hbm4b:s6+s3], $0x80, v3, vm0, $0xb8;
	[tilespmem:$0x19000] =	vst v63  }
0x9f: {  	s12 =	simm.s32 $0x9800;
	s13 =	simm.s32 $0x5800;
	s14 =	simm.s32 $0x6000  }
0xa0: {  	[tilespmem:s18], [sflag:$0x3] =	stream.indirect_vreg.gather [hbm4b:s7+s3], $0x80, v3, vm0, $0xb8;
	[tilespmem:$0x19000] =	vst v63  }
0xa1: {  	s15 =	simm.s32 $0x6800;
	s16 =	simm.s32 $0x7000;
	s17 =	simm.s32 $0x7800  }
0xa2: {  	[hbm4b:s20+s3] =	stream.linear.scatter [tilespmem:s26], [sflag:$0x4], $0x8000, $0x38;
	[tilespmem:$0x19000] =	vst v63  }
0xa3: {  	s18 =	simm.s32 $0x8000;
	s20 =	simm.s32 $0x8800;
	s26 =	simm.s32 $0x290  }
.LBB2_2:
0xa4: {  	_ =	swait.ge [sflag:s21], $0x8000  }
0xa5: {  	[sflag:s21] =	ssyncset.done $0x0  }
0xa6: {  	[sflag:s21] =	ssyncadd.s32 $0xFFFF8000  }
0xa7: {  	_ =	swait.ge [sflag:s22], $0x8000  }
0xa8: {  	[sflag:s22] =	ssyncset.done $0x0  }
0xa9: {  	[sflag:s22] =	ssyncadd.s32 $0xFFFF8000  }
0xaa: {  	v3 =	vld [tilespmem:s26+$0xFFFFFEF0];
	_ =	sdelay $0x4  }
0xab: {  	v4 =	vshll.u32 v3, $0x3  }
0xac: {  	v3 =	vand.u32 $0x7, v3;
	v4 =	vand.u32 $0xFFFFFFC0, v4  }
0xad: {  	v3 =	vor.u32 v3, v4  }
0xae: {  	v4 =	vperm.xlane v3, v0;
	_ =	sdelay $0x1  }
0xaf: {  	v4 =	vadd.s32 v1, v4;
	_ =	sdelay $0x4  }
0xb0: {  	[tilespmem:s2], [sflag:$0x1] =	stream.indirect_vreg.gather [hbm4b:s1+s3], $0x80, v4, vm0, $0xb8;
	[tilespmem:$0x19000] =	vst v63  }
0xb1: {  	v3 =	vperm.xlane v3, v2  }
0xb2: {  	[tilespmem:s30], [sflag:$0x1] =	stream.indirect_vreg.gather [hbm4b:s5+s3], $0x80, v4, vm0, $0xb8;
	[tilespmem:$0x19000] =	vst v63  }
0xb3: {  	v3 =	vadd.s32 v1, v3  }
0xb4: {  	[tilespmem:s31], [sflag:$0x1] =	stream.indirect_vreg.gather [hbm4b:s6+s3], $0x80, v4, vm0, $0xb8;
	[tilespmem:$0x19000] =	vst v63  }
0xb5: {  	s0 =	simm.s32 $0x2800  }
0xb6: {  	[tilespmem:s0], [sflag:$0x1] =	stream.indirect_vreg.gather [hbm4b:s7+s3], $0x80, v4, vm0, $0xb8;
	[tilespmem:$0x19000] =	vst v63  }
0xb7: {  	s0 =	simm.s32 $0x3000  }
0xb8: {  	[tilespmem:s0], [sflag:$0x1] =	stream.indirect_vreg.gather [hbm4b:s1+s3], $0x80, v3, vm0, $0xb8;
	[tilespmem:$0x19000] =	vst v63  }
0xb9: {  	_ = 	snop  }
0xba: {  	[tilespmem:s9], [sflag:$0x1] =	stream.indirect_vreg.gather [hbm4b:s5+s3], $0x80, v3, vm0, $0xb8;
	[tilespmem:$0x19000] =	vst v63  }
0xbb: {  	_ = 	snop  }
0xbc: {  	[tilespmem:s10], [sflag:$0x1] =	stream.indirect_vreg.gather [hbm4b:s6+s3], $0x80, v3, vm0, $0xb8;
	[tilespmem:$0x19000] =	vst v63  }
0xbd: {  	_ = 	snop  }
0xbe: {  	[tilespmem:s8], [sflag:$0x1] =	stream.indirect_vreg.gather [hbm4b:s7+s3], $0x80, v3, vm0, $0xb8;
	[tilespmem:$0x19000] =	vst v63  }
0xbf: {  	v3 =	vld [tilespmem:s26+$0xFFFFFF00];
	_ =	sdelay $0x4  }
0xc0: {  	v61 =	vshll.u32 v3, $0x3  }
0xc1: {  	v3 =	vand.u32 $0x7, v3;
	v4 =	vand.u32 $0xFFFFFFC0, v61  }
0xc2: {  	v3 =	vor.u32 v3, v4  }
0xc3: {  	v4 =	vperm.xlane v3, v0;
	_ =	sdelay $0x1  }
0xc4: {  	v4 =	vadd.s32 v1, v4;
	_ =	sdelay $0x4  }
0xc5: {  	[tilespmem:s11], [sflag:$0x1] =	stream.indirect_vreg.gather [hbm4b:s1+s3], $0x80, v4, vm0, $0xb8;
	[tilespmem:$0x19000] =	vst v63  }
0xc6: {  	v3 =	vperm.xlane v3, v2  }
0xc7: {  	[tilespmem:s13], [sflag:$0x1] =	stream.indirect_vreg.gather [hbm4b:s5+s3], $0x80, v4, vm0, $0xb8;
	[tilespmem:$0x19000] =	vst v63  }
0xc8: {  	v3 =	vadd.s32 v1, v3  }
0xc9: {  	[tilespmem:s14], [sflag:$0x1] =	stream.indirect_vreg.gather [hbm4b:s6+s3], $0x80, v4, vm0, $0xb8;
	[tilespmem:$0x19000] =	vst v63  }
0xca: {  	_ = 	snop  }
0xcb: {  	[tilespmem:s15], [sflag:$0x1] =	stream.indirect_vreg.gather [hbm4b:s7+s3], $0x80, v4, vm0, $0xb8;
	[tilespmem:$0x19000] =	vst v63  }
0xcc: {  	_ = 	snop  }
0xcd: {  	[tilespmem:s16], [sflag:$0x1] =	stream.indirect_vreg.gather [hbm4b:s1+s3], $0x80, v3, vm0, $0xb8;
	[tilespmem:$0x19000] =	vst v63  }
0xce: {  	_ = 	snop  }
0xcf: {  	[tilespmem:s17], [sflag:$0x1] =	stream.indirect_vreg.gather [hbm4b:s5+s3], $0x80, v3, vm0, $0xb8;
	[tilespmem:$0x19000] =	vst v63  }
0xd0: {  	s30 =	rddreg [dreg:$0x4]  }
0xd1: {  	[tilespmem:s18], [sflag:$0x1] =	stream.indirect_vreg.gather [hbm4b:s6+s3], $0x80, v3, vm0, $0xb8;
	[tilespmem:$0x19000] =	vst v63  }
0xd2: {  	s30 =	sadd.s32 s28, s30  }
0xd3: {  	[tilespmem:s20], [sflag:$0x1] =	stream.indirect_vreg.gather [hbm4b:s7+s3], $0x80, v3, vm0, $0xb8;
	[tilespmem:$0x19000] =	vst v63  }
0xd4: {  	s31 =	sadd.s32 $0x1000, s30  }
0xd5: {  	[hbm4b:s31+s3] =	stream.linear.scatter [tilespmem:s29], [sflag:$0x5], $0x8000, $0x38;
	[tilespmem:$0x19000] =	vst v63  }
0xd6: {  	_ =	swait.ge [sflag:s23], $0x8000  }
0xd7: {  	[sflag:s23] =	ssyncset.done $0x0  }
0xd8: {  	[sflag:s23] =	ssyncadd.s32 $0xFFFF8000  }
0xd9: {  	_ =	swait.ge [sflag:s24], $0x8000  }
0xda: {  	[sflag:s24] =	ssyncset.done $0x0  }
0xdb: {  	[sflag:s24] =	ssyncadd.s32 $0xFFFF8000  }
0xdc: {  	v3 =	vld [tilespmem:s26+$0xFFFFFF70];
	_ =	sdelay $0x4  }
0xdd: {  	v62 =	vshll.u32 v3, $0x3  }
0xde: {  	v3 =	vand.u32 $0x7, v3;
	v4 =	vand.u32 $0xFFFFFFC0, v62  }
0xdf: {  	v3 =	vor.u32 v3, v4  }
0xe0: {  	v4 =	vperm.xlane v3, v0;
	_ =	sdelay $0x1  }
0xe1: {  	v4 =	vadd.s32 v1, v4;
	_ =	sdelay $0x4  }
0xe2: {  	[tilespmem:s29], [sflag:$0x2] =	stream.indirect_vreg.gather [hbm4b:s1+s3], $0x80, v4, vm0, $0xb8;
	[tilespmem:$0x19000] =	vst v63  }
0xe3: {  	v3 =	vperm.xlane v3, v2  }
0xe4: {  	[tilespmem:s12], [sflag:$0x2] =	stream.indirect_vreg.gather [hbm4b:s5+s3], $0x80, v4, vm0, $0xb8;
	[tilespmem:$0x19000] =	vst v63  }
0xe5: {  	v3 =	vadd.s32 v1, v3  }
0xe6: {  	[tilespmem:s4], [sflag:$0x2] =	stream.indirect_vreg.gather [hbm4b:s6+s3], $0x80, v4, vm0, $0xb8;
	[tilespmem:$0x19000] =	vst v63  }
0xe7: {  	s0 =	simm.s32 $0xA800  }
0xe8: {  	[tilespmem:s0], [sflag:$0x2] =	stream.indirect_vreg.gather [hbm4b:s7+s3], $0x80, v4, vm0, $0xb8;
	[tilespmem:$0x19000] =	vst v63  }
0xe9: {  	s0 =	simm.s32 $0xB000  }
0xea: {  	[tilespmem:s0], [sflag:$0x2] =	stream.indirect_vreg.gather [hbm4b:s1+s3], $0x80, v3, vm0, $0xb8;
	[tilespmem:$0x19000] =	vst v63  }
0xeb: {  	s0 =	simm.s32 $0xB800  }
0xec: {  	[tilespmem:s0], [sflag:$0x2] =	stream.indirect_vreg.gather [hbm4b:s5+s3], $0x80, v3, vm0, $0xb8;
	[tilespmem:$0x19000] =	vst v63  }
0xed: {  	s0 =	simm.s32 $0xC000  }
0xee: {  	[tilespmem:s0], [sflag:$0x2] =	stream.indirect_vreg.gather [hbm4b:s6+s3], $0x80, v3, vm0, $0xb8;
	[tilespmem:$0x19000] =	vst v63  }
0xef: {  	s0 =	simm.s32 $0xC800  }
0xf0: {  	[tilespmem:s0], [sflag:$0x2] =	stream.indirect_vreg.gather [hbm4b:s7+s3], $0x80, v3, vm0, $0xb8;
	[tilespmem:$0x19000] =	vst v63  }
0xf1: {  	v3 =	vld [tilespmem:s26+$0xFFFFFF80];
	_ =	sdelay $0x4  }
0xf2: {  	v63 =	vshll.u32 v3, $0x3  }
0xf3: {  	v3 =	vand.u32 $0x7, v3;
	v4 =	vand.u32 $0xFFFFFFC0, v63  }
0xf4: {  	v3 =	vor.u32 v3, v4  }
0xf5: {  	v4 =	vperm.xlane v3, v0;
	_ =	sdelay $0x1  }
0xf6: {  	v4 =	vadd.s32 v1, v4;
	_ =	sdelay $0x3  }
0xf7: {  	s0 =	simm.s32 $0xD000  }
0xf8: {  	[tilespmem:s0], [sflag:$0x2] =	stream.indirect_vreg.gather [hbm4b:s1+s3], $0x80, v4, vm0, $0xb8;
	[tilespmem:$0x19000] =	vst v63  }
0xf9: {  	v3 =	vperm.xlane v3, v2;
	s0 =	simm.s32 $0xD800  }
0xfa: {  	[tilespmem:s0], [sflag:$0x2] =	stream.indirect_vreg.gather [hbm4b:s5+s3], $0x80, v4, vm0, $0xb8;
	[tilespmem:$0x19000] =	vst v63  }
0xfb: {  	v3 =	vadd.s32 v1, v3;
	s0 =	simm.s32 $0xE000  }
0xfc: {  	[tilespmem:s0], [sflag:$0x2] =	stream.indirect_vreg.gather [hbm4b:s6+s3], $0x80, v4, vm0, $0xb8;
	[tilespmem:$0x19000] =	vst v63  }
0xfd: {  	s0 =	simm.s32 $0xE800  }
0xfe: {  	[tilespmem:s0], [sflag:$0x2] =	stream.indirect_vreg.gather [hbm4b:s7+s3], $0x80, v4, vm0, $0xb8;
	[tilespmem:$0x19000] =	vst v63  }
0xff: {  	s0 =	simm.s32 $0xF000  }
0x100: {  	[tilespmem:s0], [sflag:$0x2] =	stream.indirect_vreg.gather [hbm4b:s1+s3], $0x80, v3, vm0, $0xb8;
	[tilespmem:$0x19000] =	vst v63  }
0x101: {  	s0 =	simm.s32 $0xF800  }
0x102: {  	[tilespmem:s0], [sflag:$0x2] =	stream.indirect_vreg.gather [hbm4b:s5+s3], $0x80, v3, vm0, $0xb8;
	[tilespmem:$0x19000] =	vst v63  }
0x103: {  	s0 =	simm.s32 $0x10000  }
0x104: {  	[tilespmem:s0], [sflag:$0x2] =	stream.indirect_vreg.gather [hbm4b:s6+s3], $0x80, v3, vm0, $0xb8;
	[tilespmem:$0x19000] =	vst v63  }
0x105: {  	s0 =	simm.s32 $0x10800  }
0x106: {  	[tilespmem:s0], [sflag:$0x2] =	stream.indirect_vreg.gather [hbm4b:s7+s3], $0x80, v3, vm0, $0xb8;
	[tilespmem:$0x19000] =	vst v63  }
0x107: {  	s31 =	sadd.s32 $0x2000, s30;
	s0 =	simm.s32 $0x11000  }
0x108: {  	[hbm4b:s31+s3] =	stream.linear.scatter [tilespmem:s0], [sflag:$0x6], $0x8000, $0x38;
	[tilespmem:$0x19000] =	vst v63  }
0x109: {  	_ =	swait.ge [sflag:s19], $0x8000  }
0x10a: {  	[sflag:s19] =	ssyncset.done $0x0  }
0x10b: {  	[sflag:s19] =	ssyncadd.s32 $0xFFFF8000  }
0x10c: {  	_ =	swait.ge [sflag:s25], $0x8000  }
0x10d: {  	[sflag:s25] =	ssyncset.done $0x0  }
0x10e: {  	p0 =	seq.s32 s28, $0x1B000;
	[sflag:s25] =	ssyncadd.s32 $0xFFFF8000  }
0x10f: {  	v3 =	vld @!p0 [tilespmem:s26+$0xFFFFFFF0];
	_ =	sdelay $0x4  }
0x110: {  	v4 =	vshll.u32 @!p0 v3, $0x3  }
0x111: {  	v5 =	vlaneseq.u32 @!p0;
	v3 =	vand.u32 @!p0 $0x7, v3;
	v4 =	vand.u32 @!p0 $0xFFFFFFC0, v4  }
0x112: {  	v6 =	vshrl.u32 @!p0 v5, $0x3;
	v3 =	vor.u32 @!p0 v3, v4;
	v4 =	vand.u32 @!p0 $0x7, v5  }
0x113: {  	v6 =	vmul.u32 @!p0 $0x8, v6;
	v7 =	vperm.xlane @!p0 v3, v4;
	_ =	sdelay $0x1  }
0x114: {  	v7 =	vadd.s32 @!p0 v6, v7;
	_ =	sdelay $0x3  }
0x115: {  	vm1 =	vmmov @!p0 $0xffff;
	s31 =	simm.s32 @!p0 $0x0;
	s0 =	simm.s32 @!p0 $0x11000  }
0x116: {  	v5 =	vor.u32 @!p0 $0x8, v5;
	[tilespmem:s0], [sflag:$0x3] =	stream.indirect_vreg.gather @!p0 [hbm4b:s1+s31], $0x80, v7, vm1, $0xb8;
	[tilespmem:$0x19000] =	vst v63  }
0x117: {  	v3 =	vperm.xlane @!p0 v3, v5;
	s0 =	simm.s32 @!p0 $0x11800  }
0x118: {  	[tilespmem:s0], [sflag:$0x3] =	stream.indirect_vreg.gather @!p0 [hbm4b:s5+s31], $0x80, v7, vm1, $0xb8;
	[tilespmem:$0x19000] =	vst v63  }
0x119: {  	v3 =	vadd.s32 @!p0 v6, v3;
	s0 =	simm.s32 @!p0 $0x12000  }
0x11a: {  	[tilespmem:s0], [sflag:$0x3] =	stream.indirect_vreg.gather @!p0 [hbm4b:s6+s31], $0x80, v7, vm1, $0xb8;
	[tilespmem:$0x19000] =	vst v63  }
0x11b: {  	s0 =	simm.s32 @!p0 $0x12800  }
0x11c: {  	[tilespmem:s0], [sflag:$0x3] =	stream.indirect_vreg.gather @!p0 [hbm4b:s7+s31], $0x80, v7, vm1, $0xb8;
	[tilespmem:$0x19000] =	vst v63  }
0x11d: {  	s0 =	simm.s32 @!p0 $0x13000  }
0x11e: {  	[tilespmem:s0], [sflag:$0x3] =	stream.indirect_vreg.gather @!p0 [hbm4b:s1+s31], $0x80, v3, vm1, $0xb8;
	[tilespmem:$0x19000] =	vst v63  }
0x11f: {  	s0 =	simm.s32 @!p0 $0x13800  }
0x120: {  	[tilespmem:s0], [sflag:$0x3] =	stream.indirect_vreg.gather @!p0 [hbm4b:s5+s31], $0x80, v3, vm1, $0xb8;
	[tilespmem:$0x19000] =	vst v63  }
0x121: {  	s0 =	simm.s32 @!p0 $0x14000  }
0x122: {  	[tilespmem:s0], [sflag:$0x3] =	stream.indirect_vreg.gather @!p0 [hbm4b:s6+s31], $0x80, v3, vm1, $0xb8;
	[tilespmem:$0x19000] =	vst v63  }
0x123: {  	s0 =	simm.s32 @!p0 $0x14800  }
0x124: {  	[tilespmem:s0], [sflag:$0x3] =	stream.indirect_vreg.gather @!p0 [hbm4b:s7+s31], $0x80, v3, vm1, $0xb8;
	[tilespmem:$0x19000] =	vst v63  }
0x125: {  	v3 =	vld @!p0 [tilespmem:s26+$0x0];
	_ =	sdelay $0x4  }
0x126: {  	v7 =	vshll.u32 @!p0 v3, $0x3  }
0x127: {  	v3 =	vand.u32 @!p0 $0x7, v3;
	v7 =	vand.u32 @!p0 $0xFFFFFFC0, v7  }
0x128: {  	v3 =	vor.u32 @!p0 v3, v7  }
0x129: {  	v4 =	vperm.xlane @!p0 v3, v4;
	_ =	sdelay $0x1  }
0x12a: {  	v4 =	vadd.s32 @!p0 v6, v4;
	_ =	sdelay $0x3  }
0x12b: {  	s0 =	simm.s32 @!p0 $0x15000  }
0x12c: {  	[tilespmem:s0], [sflag:$0x3] =	stream.indirect_vreg.gather @!p0 [hbm4b:s1+s31], $0x80, v4, vm1, $0xb8;
	[tilespmem:$0x19000] =	vst v63  }
0x12d: {  	v3 =	vperm.xlane @!p0 v3, v5;
	s0 =	simm.s32 @!p0 $0x15800  }
0x12e: {  	[tilespmem:s0], [sflag:$0x3] =	stream.indirect_vreg.gather @!p0 [hbm4b:s5+s31], $0x80, v4, vm1, $0xb8;
	[tilespmem:$0x19000] =	vst v63  }
0x12f: {  	v3 =	vadd.s32 @!p0 v6, v3;
	s0 =	simm.s32 @!p0 $0x16000  }
0x130: {  	[tilespmem:s0], [sflag:$0x3] =	stream.indirect_vreg.gather @!p0 [hbm4b:s6+s31], $0x80, v4, vm1, $0xb8;
	[tilespmem:$0x19000] =	vst v63  }
0x131: {  	s0 =	simm.s32 @!p0 $0x16800  }
0x132: {  	[tilespmem:s0], [sflag:$0x3] =	stream.indirect_vreg.gather @!p0 [hbm4b:s7+s31], $0x80, v4, vm1, $0xb8;
	[tilespmem:$0x19000] =	vst v63  }
0x133: {  	s0 =	simm.s32 @!p0 $0x17000  }
0x134: {  	[tilespmem:s0], [sflag:$0x3] =	stream.indirect_vreg.gather @!p0 [hbm4b:s1+s31], $0x80, v3, vm1, $0xb8;
	[tilespmem:$0x19000] =	vst v63  }
0x135: {  	s0 =	simm.s32 @!p0 $0x17800  }
0x136: {  	[tilespmem:s0], [sflag:$0x3] =	stream.indirect_vreg.gather @!p0 [hbm4b:s5+s31], $0x80, v3, vm1, $0xb8;
	[tilespmem:$0x19000] =	vst v63  }
0x137: {  	s0 =	simm.s32 @!p0 $0x18000  }
0x138: {  	[tilespmem:s0], [sflag:$0x3] =	stream.indirect_vreg.gather @!p0 [hbm4b:s6+s31], $0x80, v3, vm1, $0xb8;
	[tilespmem:$0x19000] =	vst v63  }
0x139: {  	s28 =	sadd.s32 $0x3000, s28;
	s0 =	simm.s32 @!p0 $0x18800  }
0x13a: {  	[tilespmem:s0], [sflag:$0x3] =	stream.indirect_vreg.gather @!p0 [hbm4b:s7+s31], $0x80, v3, vm1, $0xb8;
	[tilespmem:$0x19000] =	vst v63  }
0x13b: {  	p0 =	sne.s32 s28, $0x1E000  }
.Ltmp0:
0x13c: {  	_ = 	snop;
	(pc) =	sbr.rel @p0 .LBB2_2-.Ltmp0, $4  }
0x13d: {  	_ = 	snop  }
0x13e: {  	s26 =	sadd.s32 $0x180, s26  }
0x13f: {  	s31 =	simm.s32 $0x2000;
	s0 =	sadd.s32 $0x3000, s30;
	s30 =	simm.s32 $0x1800  }
0x140: {  	[hbm4b:s0+s3] =	stream.linear.scatter [tilespmem:s2], [sflag:$0x4], $0x8000, $0x38;
	[tilespmem:$0x19000] =	vst v63  }
0x141: {  	_ =	swait.ge [sflag:s21], $0x8000  }
0x142: {  	[sflag:s21] =	ssyncset.done $0x0  }
0x143: {  	[sflag:s21] =	ssyncadd.s32 $0xFFFF8000  }
0x144: {  	_ =	swait.ge [sflag:s22], $0x8000  }
0x145: {  	[sflag:s22] =	ssyncset.done $0x0  }
0x146: {  	s0 =	rddreg [dreg:$0x7];
	[sflag:s22] =	ssyncadd.s32 $0xFFFF8000  }
0x147: {  	[hbm4b:s0+s3] =	stream.linear.scatter [tilespmem:s29], [sflag:$0x5], $0x8000, $0x38;
	[tilespmem:$0x19000] =	vst v63  }
0x148: {  	_ =	swait.ge [sflag:s24], $0x8000  }
0x149: {  	s4 =	simm.s32 $0x3000;
	s9 =	simm.s32 $0x3800;
	s2 =	rddreg [dreg:$0x9]  }
0x14a: {  	s10 =	simm.s32 $0x4000;
	s26 =	rddreg [dreg:$0x8];
	s2 =	sadd.s32 $0x1, s2  }
0x14b: {  	s8 =	simm.s32 $0x4800;
	s11 =	simm.s32 $0x5000;
	p0 =	sne.s32 s2, s26  }
.Ltmp1:
0x14c: {  	s13 =	simm.s32 $0x5800;
	s14 =	simm.s32 $0x6000;
	(pc) =	sbr.rel @p0 .LBB2_1-.Ltmp1, $4  }
0x14d: {  	s15 =	simm.s32 $0x6800;
	s16 =	simm.s32 $0x7000;
	s17 =	simm.s32 $0x7800  }
0x14e: {  	s18 =	simm.s32 $0x8000;
	s20 =	simm.s32 $0x8800;
	[sflag:s24] =	ssyncset.done $0x0  }
0x14f: {  	s12 =	simm.s32 $0x9800;
	s28 =	simm.s32 $0xA000;
	[sflag:s24] =	ssyncadd.s32 $0xFFFF8000  }
0x150: {  	[dreg:$0x9] =	wrdreg s2;
	s2 =	simm.s32 $0x2800;
	s26 =	simm.s32 $0x1000  }
0x151: {  	_ =	sfence.sel $0x180000  }
0x152: {  	[bflag:$0x0] =	sbarrier.arrive $0xFFFF  }
0x153: {  	_ =	strace $0x90000047  }
0x154: {  	s0 =	stileid.u32;
	[bflag:$0x2] =	sbarrier.arrive $0xFFFF  }
0x155: {  	p0 =	sne.s32 s0, $0x0;
	s0 =	rddreg [dreg:$0x3]  }
0x156: {  	s0 =	sadd.s32 @!p0 $0x100000, s0  }
0x157: {  	[sflag:s0] =	ssyncadd.tile.s32 @!p0 $0x1;
	_ =	shalt  }
.Lfunc_end2:
_tile_overlayer_lowered:
.L_overlay_start_2:
0x158: {  	(tag) =	ssettag $0x2  }
0x159: {  	s0 =	rddreg [dreg:$0x0];
	s2 =	stileid.u32  }
0x15a: {  	s1 =	rddreg [dreg:$0x1];
	p0 =	sne.s32 s2, $0x0  }
0x15b: {  	s3 =	rddreg [dreg:$0x2];
	[bflag:$0x3] =	sbarrier.arrive $0xFFFF;
	s2 =	simm.s32 @!p0 $0x1C07  }
0x15c: {  	[timem:s3], [sflag:s2] =	dma.local @!p0 [hbm:s0], s1  }
0x15d: {  	s0 =	simm.s32 @!p0 $0x7  }
0x15e: {  	_ =	swait.ge @!p0 [sflag:s0], s1  }
0x15f: {  	s1 =	ssub.s32 @!p0 $0x0, s1;
	[sflag:s0] =	ssyncset.done @!p0 $0x0  }
0x160: {  	[sflag:s0] =	ssyncadd.s32 @!p0 s1  }
0x161: {  	[bflag:$0x3] =	sbarrier.arrive $0xFFFF  }
0x162: {  	_ =	shalt  }

</sc_bundles>
